<compile_context>
chip_gen: v7x
topology: tpu7x:2x2x1
jax: 0.10.2.dev20260603
libtpu: 0.0.44.dev20260713+nightly
codegen_flags: <defaults>
</compile_context>

<pallas_src>
import functools

import jax
import jax.numpy as jnp
from jax import lax
from jax.experimental import pallas as pl
from jax.experimental.pallas import tpu as pltpu
from jax.experimental.pallas import tpu_sc as plsc

_N = 10000
_E = 320000
_D = 128
_NC = 2
_NS = 16
_NW = _NC * _NS
_EPW = _E // _NW
_K = 80
_NCH = _EPW // _K
_NA = 10240
_RPT = _NA // _NS
_ZR = 32

_sc_mesh = plsc.VectorSubcoreMesh(core_axis_name="c", subcore_axis_name="s")


@functools.partial(
    pl.kernel,
    out_type=jax.ShapeDtypeStruct((_NC, _NA, _D), jnp.float32),
    mesh=_sc_mesh,
    scratch_types=[
        pltpu.VMEM((_NCH, _K), jnp.int32),
        pltpu.VMEM((_K, _D), jnp.float32),
        pltpu.VMEM((8, _D), jnp.float32),
        pltpu.VMEM_SHARED((_NA, _D), jnp.float32),
        pltpu.SemaphoreType.DMA,
        pltpu.SemaphoreType.DMA,
        pltpu.SemaphoreType.DMA,
        pltpu.SemaphoreType.DMA,
    ],
)
def _deg_kernel(di3_hbm, out_hbm, didx, ones_rows, zbuf, acc,
                ds0, ds1, ds2, ds3):
    cid = lax.axis_index("c")
    sid = lax.axis_index("s")
    wid = sid * _NC + cid

    @pl.loop(0, _K * (_D // 16))
    def _fo(i):
        r = i // (_D // 16)
        c = (i % (_D // 16)) * 16
        ones_rows[r, pl.ds(c, 16)] = jnp.ones((16,), jnp.float32)

    @pl.loop(0, 8 * (_D // 16))
    def _fz(i):
        r = i // (_D // 16)
        c = (i % (_D // 16)) * 16
        zbuf[r, pl.ds(c, 16)] = jnp.zeros((16,), jnp.float32)

    @pl.loop(0, _RPT // 8)
    def _za(j):
        pltpu.sync_copy(zbuf, acc.at[pl.ds(sid * _RPT + j * 8, 8)])

    pltpu.sync_copy(di3_hbm.at[wid], didx)

    plsc.subcore_barrier()

    dsm = (ds0, ds1, ds2, ds3)
    for p in range(4):
        pltpu.async_copy(ones_rows, acc.at[didx.at[p]], dsm[p], add=True)

    @pl.loop(0, _NCH, step=4)
    def _chunk(i):
        for b in range(4):
            c = i + b

            @pl.when(c < _NCH)
            def _():
                pltpu.make_async_copy(ones_rows, acc.at[didx.at[c]],
                                      dsm[b]).wait()

                @pl.when(c + 4 < _NCH)
                def _():
                    pltpu.async_copy(ones_rows, acc.at[didx.at[c + 4]],
                                     dsm[b], add=True)

    plsc.subcore_barrier()
    r0 = sid * _RPT
    pltpu.sync_copy(acc.at[pl.ds(r0, _RPT)], out_hbm.at[cid, pl.ds(r0, _RPT)])


@functools.partial(
    pl.kernel,
    out_type=jax.ShapeDtypeStruct((_NC, _NA, _D), jnp.float32),
    mesh=_sc_mesh,
    scratch_types=[
        pltpu.VMEM((_EPW,), jnp.int32),
        pltpu.VMEM((_K,), jnp.int32),
        pltpu.VMEM((_K,), jnp.int32),
        pltpu.VMEM((_K,), jnp.int32),
        pltpu.VMEM((_K, _D), jnp.float32),
        pltpu.VMEM((_K, _D), jnp.float32),
        pltpu.VMEM((_K, _D), jnp.float32),
        pltpu.VMEM_SHARED((_NA, _D), jnp.float32),
        pltpu.SemaphoreType.DMA,
        pltpu.SemaphoreType.DMA,
        pltpu.SemaphoreType.DMA,
        pltpu.SemaphoreType.DMA,
        pltpu.SemaphoreType.DMA,
        pltpu.SemaphoreType.DMA,
        pltpu.SemaphoreType.DMA,
        pltpu.SemaphoreType.DMA,
        pltpu.SemaphoreType.DMA,
    ],
)
def _edge_kernel(hws_hbm, si_hbm, di_hbm, out_hbm, sidx, dl0, dl1, dl2,
                 rows0, rows1, rows2, acc, sg0, sg1, sg2, si0, si1, si2,
                 ss0, ss1, ss2):
    cid = lax.axis_index("c")
    sid = lax.axis_index("s")
    wid = sid * _NC + cid

    dls = (dl0, dl1, dl2)
    rws = (rows0, rows1, rows2)
    sgs = (sg0, sg1, sg2)
    sis = (si0, si1, si2)
    ssm = (ss0, ss1, ss2)

    @pl.loop(0, _K * (_D // 16))
    def _zr(i):
        r = i // (_D // 16)
        c = (i % (_D // 16)) * 16
        rows0[r, pl.ds(c, 16)] = jnp.zeros((16,), jnp.float32)

    @pl.loop(0, _RPT // _K)
    def _za(j):
        pltpu.sync_copy(rows0, acc.at[pl.ds(sid * _RPT + j * _K, _K)])

    base0 = wid * _EPW
    pltpu.sync_copy(si_hbm.at[pl.ds(base0, _EPW)], sidx)

    plsc.subcore_barrier()

    def issue(c, b):
        pltpu.async_copy(di_hbm.at[pl.ds(base0 + c * _K, _K)], dls[b], sis[b])
        pltpu.async_copy(hws_hbm.at[sidx.at[pl.ds(c * _K, _K)]], rws[b],
                         sgs[b])

    for b in range(2):
        issue(b, b)

    @pl.loop(0, _NCH, step=3)
    def _chunk(cn):
        for b in range(3):
            c = cn + b
            pb = (b + 2) % 3

            @pl.when(c < _NCH)
            def _():
                pltpu.make_async_copy(di_hbm.at[pl.ds(base0 + c * _K, _K)],
                                      dls[b], sis[b]).wait()
                pltpu.make_async_copy(hws_hbm.at[sidx.at[pl.ds(c * _K, _K)]],
                                      rws[b], sgs[b]).wait()

                @pl.when(c >= 1)
                def _():
                    pltpu.make_async_copy(rws[pb], acc.at[dls[pb]],
                                          ssm[pb]).wait()

                @pl.when(c + 2 < _NCH)
                def _():
                    issue(c + 2, pb)

                pltpu.async_copy(rws[b], acc.at[dls[b]], ssm[b], add=True)

    lb = (_NCH - 1) % 3
    pltpu.make_async_copy(rws[lb], acc.at[dls[lb]], ssm[lb]).wait()

    plsc.subcore_barrier()
    r0 = sid * _RPT
    pltpu.sync_copy(acc.at[pl.ds(r0, _RPT)], out_hbm.at[cid, pl.ds(r0, _RPT)])


_RB = 2000

_rowspec = pl.BlockSpec((_RB, _D), lambda i: (i, 0))
_colspec = pl.BlockSpec((_RB, 1), lambda i: (i, 0))
_accspec = pl.BlockSpec((2, _RB, _D), lambda i: (0, i, 0))
_wspec = pl.BlockSpec((_D, _D), lambda i: (0, 0))
_vspec = pl.BlockSpec((1, _D), lambda i: (0, 0))
_sspec = pl.BlockSpec((1, 1), lambda i: (0, 0))


def _dense(h, dis, w, g, be):
    mu = jnp.mean(h, axis=1, keepdims=True)
    var = jnp.mean((h - mu) ** 2, axis=1, keepdims=True)
    hn = (h - mu) / jnp.sqrt(var + 1e-5) * g + be
    ha = jnp.where(hn > 0, hn, 0.2 * hn)
    hw = jnp.dot(ha, w, preferred_element_type=jnp.float32)
    return dis * hw


def _pre1_body(parts_ref, h_ref, w_ref, g_ref, be_ref, hws_ref, dis_ref):
    deg = parts_ref[0, :, :1] + parts_ref[1, :, :1] + 1.0
    dis = lax.rsqrt(deg)
    dis_ref[...] = dis
    hws_ref[...] = _dense(h_ref[...], dis, w_ref[...], g_ref[...], be_ref[...])


_pre1_call = pl.pallas_call(
    _pre1_body,
    grid=(_N // _RB,),
    in_specs=[_accspec, _rowspec, _wspec, _vspec, _vspec],
    out_specs=(_rowspec, _colspec),
    out_shape=(jax.ShapeDtypeStruct((_N, _D), jnp.float32),
               jax.ShapeDtypeStruct((_N, 1), jnp.float32)),
)


def _mid_body(acc_ref, hws_ref, dis_ref, h_ref, b_ref, gate_ref, w_ref,
              g_ref, be_ref, h1_ref, hws2_ref):
    ssum = acc_ref[0] + acc_ref[1] + hws_ref[...]
    conv = dis_ref[...] * ssum + b_ref[...]
    h1 = h_ref[...] + jax.nn.sigmoid(gate_ref[...]) * conv
    h1_ref[...] = h1
    hws2_ref[...] = _dense(h1, dis_ref[...], w_ref[...], g_ref[...],
                           be_ref[...])


_mid_call = pl.pallas_call(
    _mid_body,
    grid=(_N // _RB,),
    in_specs=[_accspec, _rowspec, _colspec, _rowspec, _vspec, _sspec,
              _wspec, _vspec, _vspec],
    out_specs=(_rowspec, _rowspec),
    out_shape=(jax.ShapeDtypeStruct((_N, _D), jnp.float32),
               jax.ShapeDtypeStruct((_N, _D), jnp.float32)),
)


def _fin_body(acc_ref, hws_ref, dis_ref, h_ref, b_ref, gate_ref, x0_ref,
              out_ref):
    ssum = acc_ref[0] + acc_ref[1] + hws_ref[...]
    conv = dis_ref[...] * ssum + b_ref[...]
    out_ref[...] = (h_ref[...] + jax.nn.sigmoid(gate_ref[...]) * conv
                    + x0_ref[...])


_fin_call = pl.pallas_call(
    _fin_body,
    grid=(_N // _RB,),
    in_specs=[_accspec, _rowspec, _colspec, _rowspec, _vspec, _sspec,
              _rowspec],
    out_specs=_rowspec,
    out_shape=jax.ShapeDtypeStruct((_N, _D), jnp.float32),
)


def kernel(x, edge_index, W0, b0, g0, be0, gate0, W1, b1, g1, be1, gate1):
    src = edge_index[0]
    dst = edge_index[1]
    dst3 = dst.reshape(_NW, _NCH, _K)

    deg_parts = _deg_kernel(dst3)
    hws1, dis_col = _pre1_call(deg_parts, x, W0, g0.reshape(1, _D),
                               be0.reshape(1, _D))
    acc1 = _edge_kernel(hws1, src, dst)
    h1, hws2 = _mid_call(acc1, hws1, dis_col, x, b0.reshape(1, _D),
                         gate0.reshape(1, 1), W1, g1.reshape(1, _D),
                         be1.reshape(1, _D))
    acc2 = _edge_kernel(hws2, src, dst)
    return _fin_call(acc2, hws2, dis_col, h1, b1.reshape(1, _D),
                     gate1.reshape(1, 1), x)

# --- scband reference (transcript-rebuilt; emitter-appended) ---
"""Pipeline reference for scband-gnnencoder-4698694222240 (READ-ONLY COPY).

The authoritative reference and input builder live on the scoring server;
editing this copy changes nothing except your own understanding.
"""

import jax, jax.numpy as jnp
import numpy as np

N = 10000
E = 320000
D = 128
N_LAYERS = 2


def _layernorm(h, g, b):
    mu = jnp.mean(h, axis=-1, keepdims=True)
    var = jnp.var(h, axis=-1, keepdims=True)
    return (h - mu) / jnp.sqrt(var + 1e-5) * g + b


def _gcn_conv(h, src, dst, W, b):
    # GCNConv: add self-loops, symmetric normalization D^-1/2 (A+I) D^-1/2
    loop = jnp.arange(N, dtype=src.dtype)
    si = jnp.concatenate([src, loop])
    di = jnp.concatenate([dst, loop])
    deg = jax.ops.segment_sum(jnp.ones(si.shape[0], h.dtype), di, num_segments=N)
    dis = jnp.where(deg > 0, 1.0 / jnp.sqrt(deg), 0.0)
    norm = dis[si] * dis[di]
    hw = h @ W
    msg = hw[si] * norm[:, None]
    out = jax.ops.segment_sum(msg, di, num_segments=N)
    return out + b


def setup_inputs(seed: int = 0) -> dict:
    key = jax.random.key(seed)
    ks = jax.random.split(key, 8)
    x = jax.random.normal(ks[0], (N, D), dtype=jnp.float32)
    edge_index = jax.random.randint(ks[1], (2, E), 0, N, dtype=jnp.int32)
    s = float(np.sqrt(6.0 / (D + D)))
    W0 = jax.random.uniform(ks[2], (D, D), minval=-s, maxval=s, dtype=jnp.float32)
    W1 = jax.random.uniform(ks[3], (D, D), minval=-s, maxval=s, dtype=jnp.float32)
    b0 = jnp.zeros((D,), jnp.float32)
    b1 = jnp.zeros((D,), jnp.float32)
    g0 = jnp.ones((D,), jnp.float32)
    g1 = jnp.ones((D,), jnp.float32)
    be0 = jnp.zeros((D,), jnp.float32)
    be1 = jnp.zeros((D,), jnp.float32)
    gate0 = jnp.array(-4.0, jnp.float32)
    gate1 = jnp.array(-4.0, jnp.float32)
    return {"x": x, "edge_index": edge_index, "W0": W0, "b0": b0, "g0": g0, "be0": be0, "gate0": gate0, "W1": W1, "b1": b1, "g1": g1, "be1": be1, "gate1": gate1}


def reference(x, edge_index, W0, b0, g0, be0, gate0, W1, b1, g1, be1, gate1):
    # proj_in / proj_out / proj_skip are Identity since input_dim == hidden_dim == output_dim
    src = edge_index[0]
    dst = edge_index[1]
    x0 = x
    h = x0
    params = [(W0, b0, g0, be0, gate0), (W1, b1, g1, be1, gate1)]
    for (W, b, g, be, gate) in params:
        hn = _layernorm(h, g, be)
        ha = jnp.where(hn > 0, hn, 0.2 * hn)  # LeakyReLU(0.2)
        h_new = _gcn_conv(ha, src, dst, W, b)
        h = h + jax.nn.sigmoid(gate) * h_new
    return h + x0

if __name__ == "__main__":
    import jax
    _d = setup_inputs()
    print(jax.jit(kernel)(*tuple(_d.values())))

</pallas_src>

<mosaic_0001>
#map = affine_map<(d0, d1) -> (0, 0)>
#map1 = affine_map<(d0, d1) -> (0)>
#map2 = affine_map<(d0, d1) -> (0, 0, 0)>
module attributes {stable_mosaic.version = 14 : i64} {
  func.func @_edge_kernel(%arg0: i32, %arg1: i32, %arg2: memref<10000x128xf32, #tpu.memory_space<hbm>>, %arg3: memref<320000xi32, #tpu.memory_space<hbm>>, %arg4: memref<320000xi32, #tpu.memory_space<hbm>>, %arg5: memref<2x10240x128xf32, #tpu.memory_space<hbm>>, %arg6: memref<10000xi32, #tpu.memory_space<vmem>>, %arg7: memref<80xi32, #tpu.memory_space<vmem>>, %arg8: memref<80xi32, #tpu.memory_space<vmem>>, %arg9: memref<80xi32, #tpu.memory_space<vmem>>, %arg10: memref<80x128xf32, #tpu.memory_space<vmem>>, %arg11: memref<80x128xf32, #tpu.memory_space<vmem>>, %arg12: memref<80x128xf32, #tpu.memory_space<vmem>>, %arg13: memref<10240x128xf32, #tpu.memory_space<vmem_shared>>, %arg14: memref<!tpu.dma_semaphore, #tpu.memory_space<semaphore_mem>>, %arg15: memref<!tpu.dma_semaphore, #tpu.memory_space<semaphore_mem>>, %arg16: memref<!tpu.dma_semaphore, #tpu.memory_space<semaphore_mem>>, %arg17: memref<!tpu.dma_semaphore, #tpu.memory_space<semaphore_mem>>, %arg18: memref<!tpu.dma_semaphore, #tpu.memory_space<semaphore_mem>>, %arg19: memref<!tpu.dma_semaphore, #tpu.memory_space<semaphore_mem>>, %arg20: memref<!tpu.dma_semaphore, #tpu.memory_space<semaphore_mem>>, %arg21: memref<!tpu.dma_semaphore, #tpu.memory_space<semaphore_mem>>, %arg22: memref<!tpu.dma_semaphore, #tpu.memory_space<semaphore_mem>>) attributes {dimension_semantics = [#tpu.dimension_semantics<core_parallel>, #tpu.dimension_semantics<subcore_parallel>], iteration_bounds = array<i64: 2, 16>, scalar_prefetch = 0 : i64, scratch_operands = 17 : i64, tpu.core_type = #tpu.core_type<sc_vector_subcore>, window_params = [{transform_indices = #map}, {transform_indices = #map1}, {transform_indices = #map1}, {transform_indices = #map2}]} {
    %mul3A = arith.constant 2 : i32
    %mul3A_0 = arith.muli %arg1, %mul3A : i32
    %add3A = arith.addi %mul3A_0, %arg0 : i32
    %scan3A = arith.constant 0 : i32
    %scan3A_1 = arith.constant 640 : i32
    %scan3A_2 = arith.addi %scan3A, %scan3A_1 : i32
    %scan3A_3 = arith.constant 1 : i32
    scf.for %scan3A_39 = %scan3A to %scan3A_2 step %scan3A_3  : i32 {
      %mul3A_40 = arith.constant 1 : i32
      %mul3A_41 = arith.muli %scan3A_39, %mul3A_40 : i32
      %add3A_42 = arith.constant 0 : i32
      %add3A_43 = arith.addi %add3A_42, %mul3A_41 : i32
      %jit3A = arith.constant 8 : i32
      %div3A = arith.divsi %add3A_43, %jit3A : i32
      %sign3A = arith.constant 0 : i32
      %sign3A_44 = arith.cmpi sgt, %add3A_43, %sign3A : i32
      %sign3A_45 = arith.extui %sign3A_44 : i1 to i32
      %sign3A_46 = arith.constant 0 : i32
      %sign3A_47 = arith.cmpi slt, %add3A_43, %sign3A_46 : i32
      %sign3A_48 = arith.extui %sign3A_47 : i1 to i32
      %sign3A_49 = arith.subi %sign3A_45, %sign3A_48 : i32
      %sign3A_50 = arith.constant 0 : i32
      %sign3A_51 = arith.cmpi sgt, %jit3A, %sign3A_50 : i32
      %sign3A_52 = arith.extui %sign3A_51 : i1 to i32
      %sign3A_53 = arith.constant 0 : i32
      %sign3A_54 = arith.cmpi slt, %jit3A, %sign3A_53 : i32
      %sign3A_55 = arith.extui %sign3A_54 : i1 to i32
      %sign3A_56 = arith.subi %sign3A_52, %sign3A_55 : i32
      %ne3A = arith.cmpi ne, %sign3A_49, %sign3A_56 : i32
      %rem3A = arith.remsi %add3A_43, %jit3A : i32
      %ne3A_57 = arith.constant 0 : i32
      %ne3A_58 = arith.cmpi ne, %rem3A, %ne3A_57 : i32
      %and3A = arith.andi %ne3A, %ne3A_58 : i1
      %sub3A = arith.constant 1 : i32
      %sub3A_59 = arith.subi %div3A, %sub3A : i32
      %select_n3A = arith.select %and3A, %sub3A_59, %div3A : i32
      %jit3A_60 = arith.constant 8 : i32
      %eq3A = arith.constant 0 : i32
      %eq3A_61 = arith.cmpi eq, %jit3A_60, %eq3A : i32
      %jit3A_62 = arith.constant 1 : i32
      %select_n3A_63 = arith.select %eq3A_61, %jit3A_62, %jit3A_60 : i32
      %rem3A_64 = arith.remsi %add3A_43, %select_n3A_63 : i32
      %ne3A_65 = arith.constant 0 : i32
      %ne3A_66 = arith.cmpi ne, %rem3A_64, %ne3A_65 : i32
      %lt3A = arith.constant 0 : i32
      %lt3A_67 = arith.cmpi slt, %rem3A_64, %lt3A : i32
      %lt3A_68 = arith.constant 0 : i32
      %lt3A_69 = arith.cmpi slt, %select_n3A_63, %lt3A_68 : i32
      %ne3A_70 = arith.xori %lt3A_67, %lt3A_69 : i1
      %and3A_71 = arith.andi %ne3A_70, %ne3A_66 : i1
      %add3A_72 = arith.addi %rem3A_64, %select_n3A_63 : i32
      %select_n3A_73 = arith.select %and3A_71, %add3A_72, %rem3A_64 : i32
      %mul3A_74 = arith.constant 16 : i32
      %mul3A_75 = arith.muli %select_n3A_73, %mul3A_74 : i32
      %broadcast_in_dim3A = arith.constant 0.000000e+00 : f32
      %broadcast_in_dim3A_76 = vector.broadcast %broadcast_in_dim3A : f32 to vector<16xf32>
      %swap3A = arith.index_cast %select_n3A : i32 to index
      %swap3A_77 = arith.index_cast %mul3A_75 : i32 to index
      %swap3A_78 = tpu.vector_load %arg10[%swap3A, %swap3A_77] {strides = array<i32>} : memref<80x128xf32, #tpu.memory_space<vmem>>, vector<1x16xf32>,
      %swap3A_79 = vector.shape_cast %swap3A_78 : vector<1x16xf32> to vector<16xf32>
      %swap3A_80 = vector.shape_cast %broadcast_in_dim3A_76 : vector<16xf32> to vector<1x16xf32>
      tpu.vector_store %arg10[%swap3A, %swap3A_77], %swap3A_80 {strides = array<i32>} : memref<80x128xf32, #tpu.memory_space<vmem>>, vector<1x16xf32>,
    }
    %scan3A_4 = arith.constant 640 : i32
    %scan3A_5 = arith.constant 0 : i32
    %scan3A_6 = arith.constant 8 : i32
    %scan3A_7 = arith.addi %scan3A_5, %scan3A_6 : i32
    %scan3A_8 = arith.constant 1 : i32
    scf.for %scan3A_39 = %scan3A_5 to %scan3A_7 step %scan3A_8  : i32 {
      %mul3A_40 = arith.constant 1 : i32
      %mul3A_41 = arith.muli %scan3A_39, %mul3A_40 : i32
      %add3A_42 = arith.constant 0 : i32
      %add3A_43 = arith.addi %add3A_42, %mul3A_41 : i32
      %mul3A_44 = arith.constant 640 : i32
      %mul3A_45 = arith.muli %arg1, %mul3A_44 : i32
      %mul3A_46 = arith.constant 80 : i32
      %mul3A_47 = arith.muli %add3A_43, %mul3A_46 : i32
      %add3A_48 = arith.addi %mul3A_45, %mul3A_47 : i32
      "tpu.region"() ({
        %run_scoped3A = tpu.sem_alloc : memref<!tpu.dma_semaphore, #tpu.memory_space<semaphore_mem>>
        %dma_start3A_49 = arith.constant 0 : i32
        %dma_start3A_50 = tpu.memref_slice %arg13[%add3A_48, %dma_start3A_49] : memref<10240x128xf32, #tpu.memory_space<vmem_shared>> -> memref<80x128xf32, #tpu.memory_space<vmem_shared>>
        %dma_start3A_51 = arith.constant 0 : i32
        %dma_start3A_52 = tpu.memref_slice %arg13[%add3A_48, %dma_start3A_51] : memref<10240x128xf32, #tpu.memory_space<vmem_shared>> -> memref<80x128xf32, #tpu.memory_space<vmem_shared>>
        tpu.enqueue_dma source(%arg10 : memref<80x128xf32, #tpu.memory_space<vmem>>) target(%dma_start3A_52 : memref<80x128xf32, #tpu.memory_space<vmem_shared>>) target_semaphore(%run_scoped3A : memref<!tpu.dma_semaphore, #tpu.memory_space<semaphore_mem>>)
        %dma_wait3A_53 = arith.constant 0 : i32
        %dma_wait3A_54 = tpu.memref_slice %arg13[%add3A_48, %dma_wait3A_53] : memref<10240x128xf32, #tpu.memory_space<vmem_shared>> -> memref<80x128xf32, #tpu.memory_space<vmem_shared>>
        %dma_wait3A_55 = arith.constant 0 : i32
        %dma_wait3A_56 = tpu.memref_slice %arg13[%add3A_48, %dma_wait3A_55] : memref<10240x128xf32, #tpu.memory_space<vmem_shared>> -> memref<80x128xf32, #tpu.memory_space<vmem_shared>>
        tpu.wait_dma2 semaphore(%run_scoped3A : memref<!tpu.dma_semaphore, #tpu.memory_space<semaphore_mem>>) src(%arg10 : memref<80x128xf32, #tpu.memory_space<vmem>>) dst(%dma_wait3A_56 : memref<80x128xf32, #tpu.memory_space<vmem_shared>>)
        tpu.yield
      }) : () -> ()
    }
    %scan3A_9 = arith.constant 8 : i32
    %mul3A_10 = arith.constant 10000 : i32
    %mul3A_11 = arith.muli %add3A, %mul3A_10 : i32
    "tpu.region"() ({
      %run_scoped3A = tpu.sem_alloc : memref<!tpu.dma_semaphore, #tpu.memory_space<semaphore_mem>>
      %dma_start3A_39 = tpu.memref_slice %arg3[%mul3A_11] : memref<320000xi32, #tpu.memory_space<hbm>> -> memref<10000xi32, #tpu.memory_space<hbm>>
      %dma_start3A_40 = tpu.memref_slice %arg3[%mul3A_11] : memref<320000xi32, #tpu.memory_space<hbm>> -> memref<10000xi32, #tpu.memory_space<hbm>>
      tpu.enqueue_dma source(%dma_start3A_40 : memref<10000xi32, #tpu.memory_space<hbm>>) target(%arg6 : memref<10000xi32, #tpu.memory_space<vmem>>) target_semaphore(%run_scoped3A : memref<!tpu.dma_semaphore, #tpu.memory_space<semaphore_mem>>)
      %dma_wait3A_41 = tpu.memref_slice %arg3[%mul3A_11] : memref<320000xi32, #tpu.memory_space<hbm>> -> memref<10000xi32, #tpu.memory_space<hbm>>
      %dma_wait3A_42 = tpu.memref_slice %arg3[%mul3A_11] : memref<320000xi32, #tpu.memory_space<hbm>> -> memref<10000xi32, #tpu.memory_space<hbm>>
      tpu.wait_dma2 semaphore(%run_scoped3A : memref<!tpu.dma_semaphore, #tpu.memory_space<semaphore_mem>>) src(%dma_wait3A_42 : memref<10000xi32, #tpu.memory_space<hbm>>) dst(%arg6 : memref<10000xi32, #tpu.memory_space<vmem>>)
      tpu.yield
    }) : () -> ()
    %barrier3A = arith.constant 0 : index
    tpu.barrier barrier_id(%barrier3A)
    %add3A_12 = arith.constant 0 : i32
    %add3A_13 = arith.addi %mul3A_11, %add3A_12 : i32
    %dma_start3A = tpu.memref_slice %arg4[%add3A_13] : memref<320000xi32, #tpu.memory_space<hbm>> -> memref<80xi32, #tpu.memory_space<hbm>>
    %dma_start3A_14 = tpu.memref_slice %arg4[%add3A_13] : memref<320000xi32, #tpu.memory_space<hbm>> -> memref<80xi32, #tpu.memory_space<hbm>>
    tpu.enqueue_dma source(%dma_start3A_14 : memref<80xi32, #tpu.memory_space<hbm>>) target(%arg7 : memref<80xi32, #tpu.memory_space<vmem>>) target_semaphore(%arg17 : memref<!tpu.dma_semaphore, #tpu.memory_space<semaphore_mem>>)
    %dma_start3A_15 = arith.constant 0 : i32
    %dma_start3A_16 = tpu.memref_slice %arg6[%dma_start3A_15] : memref<10000xi32, #tpu.memory_space<vmem>> -> memref<80xi32, #tpu.memory_space<vmem>>
    %dma_start3A_17 = arith.constant 0 : i32
    %dma_start3A_18 = arith.constant 0 : i32
    %dma_start3A_19 = tpu.memref_slice %arg2[%dma_start3A_17, %dma_start3A_18] : memref<10000x128xf32, #tpu.memory_space<hbm>> -> memref<10000x128xf32, #tpu.memory_space<hbm>>
    tpu.enqueue_indirect_dma source(%dma_start3A_19 : memref<10000x128xf32, #tpu.memory_space<hbm>>) target(%arg10 : memref<80x128xf32, #tpu.memory_space<vmem>>) offsets(%dma_start3A_16 : memref<80xi32, #tpu.memory_space<vmem>>) semaphore(%arg14 : memref<!tpu.dma_semaphore, #tpu.memory_space<semaphore_mem>>)
    %add3A_20 = arith.constant 80 : i32
    %add3A_21 = arith.addi %mul3A_11, %add3A_20 : i32
    %dma_start3A_22 = tpu.memref_slice %arg4[%add3A_21] : memref<320000xi32, #tpu.memory_space<hbm>> -> memref<80xi32, #tpu.memory_space<hbm>>
    %dma_start3A_23 = tpu.memref_slice %arg4[%add3A_21] : memref<320000xi32, #tpu.memory_space<hbm>> -> memref<80xi32, #tpu.memory_space<hbm>>
    tpu.enqueue_dma source(%dma_start3A_23 : memref<80xi32, #tpu.memory_space<hbm>>) target(%arg8 : memref<80xi32, #tpu.memory_space<vmem>>) target_semaphore(%arg18 : memref<!tpu.dma_semaphore, #tpu.memory_space<semaphore_mem>>)
    %dma_start3A_24 = arith.constant 80 : i32
    %dma_start3A_25 = tpu.memref_slice %arg6[%dma_start3A_24] : memref<10000xi32, #tpu.memory_space<vmem>> -> memref<80xi32, #tpu.memory_space<vmem>>
    %dma_start3A_26 = arith.constant 0 : i32
    %dma_start3A_27 = arith.constant 0 : i32
    %dma_start3A_28 = tpu.memref_slice %arg2[%dma_start3A_26, %dma_start3A_27] : memref<10000x128xf32, #tpu.memory_space<hbm>> -> memref<10000x128xf32, #tpu.memory_space<hbm>>
    tpu.enqueue_indirect_dma source(%dma_start3A_28 : memref<10000x128xf32, #tpu.memory_space<hbm>>) target(%arg11 : memref<80x128xf32, #tpu.memory_space<vmem>>) offsets(%dma_start3A_25 : memref<80xi32, #tpu.memory_space<vmem>>) semaphore(%arg15 : memref<!tpu.dma_semaphore, #tpu.memory_space<semaphore_mem>>)
    %scan3A_29 = arith.constant 0 : i32
    %scan3A_30 = arith.constant 42 : i32
    %scan3A_31 = arith.addi %scan3A_29, %scan3A_30 : i32
    %scan3A_32 = arith.constant 1 : i32
    scf.for %scan3A_39 = %scan3A_29 to %scan3A_31 step %scan3A_32  : i32 {
      %mul3A_40 = arith.constant 3 : i32
      %mul3A_41 = arith.muli %scan3A_39, %mul3A_40 : i32
      %add3A_42 = arith.constant 0 : i32
      %add3A_43 = arith.addi %add3A_42, %mul3A_41 : i32
      %add3A_44 = arith.constant 0 : i32
      %add3A_45 = arith.addi %add3A_43, %add3A_44 : i32
      %lt3A = arith.constant 125 : i32
      %lt3A_46 = arith.cmpi slt, %add3A_45, %lt3A : i32
      %convert_element_type3A = arith.extui %lt3A_46 : i1 to i32
      %cond3A = arith.constant 0 : i32
      %cond3A_47 = arith.cmpi ne, %convert_element_type3A, %cond3A : i32
      scf.if %cond3A_47 {
        %mul3A_62 = arith.constant 80 : i32
        %mul3A_63 = arith.muli %add3A_45, %mul3A_62 : i32
        %add3A_64 = arith.addi %mul3A_11, %mul3A_63 : i32
        %dma_wait3A_65 = tpu.memref_slice %arg4[%add3A_64] : memref<320000xi32, #tpu.memory_space<hbm>> -> memref<80xi32, #tpu.memory_space<hbm>>
        %dma_wait3A_66 = tpu.memref_slice %arg4[%add3A_64] : memref<320000xi32, #tpu.memory_space<hbm>> -> memref<80xi32, #tpu.memory_space<hbm>>
        tpu.wait_dma2 semaphore(%arg17 : memref<!tpu.dma_semaphore, #tpu.memory_space<semaphore_mem>>) src(%dma_wait3A_66 : memref<80xi32, #tpu.memory_space<hbm>>) dst(%arg7 : memref<80xi32, #tpu.memory_space<vmem>>)
        %mul3A_67 = arith.constant 80 : i32
        %mul3A_68 = arith.muli %add3A_45, %mul3A_67 : i32
        %dma_wait3A_69 = tpu.memref_slice %arg6[%mul3A_68] : memref<10000xi32, #tpu.memory_space<vmem>> -> memref<80xi32, #tpu.memory_space<vmem>>
        %dma_wait3A_70 = arith.constant 0 : i32
        %dma_wait3A_71 = arith.constant 0 : i32
        %dma_wait3A_72 = tpu.memref_slice %arg2[%dma_wait3A_70, %dma_wait3A_71] : memref<10000x128xf32, #tpu.memory_space<hbm>> -> memref<10000x128xf32, #tpu.memory_space<hbm>>
        tpu.wait_indirect_dma semaphore(%arg14 : memref<!tpu.dma_semaphore, #tpu.memory_space<semaphore_mem>>) src(%dma_wait3A_72 : memref<10000x128xf32, #tpu.memory_space<hbm>>) dst(%arg10 : memref<80x128xf32, #tpu.memory_space<vmem>>)
        %ge3A = arith.constant 1 : i32
        %ge3A_73 = arith.cmpi sge, %add3A_45, %ge3A : i32
        %convert_element_type3A_74 = arith.extui %ge3A_73 : i1 to i32
        %cond3A_75 = arith.constant 0 : i32
        %cond3A_76 = arith.cmpi ne, %convert_element_type3A_74, %cond3A_75 : i32
        scf.if %cond3A_76 {
          %dma_wait3A_87 = arith.constant 0 : i32
          %dma_wait3A_88 = arith.constant 0 : i32
          %dma_wait3A_89 = tpu.memref_slice %arg13[%dma_wait3A_87, %dma_wait3A_88] : memref<10240x128xf32, #tpu.memory_space<vmem_shared>> -> memref<10240x128xf32, #tpu.memory_space<vmem_shared>>
          tpu.wait_indirect_dma semaphore(%arg22 : memref<!tpu.dma_semaphore, #tpu.memory_space<semaphore_mem>>) src(%arg12 : memref<80x128xf32, #tpu.memory_space<vmem>>) dst(%dma_wait3A_89 : memref<10240x128xf32, #tpu.memory_space<vmem_shared>>)
        } else {
        }
        %add3A_77 = arith.constant 2 : i32
        %add3A_78 = arith.addi %add3A_45, %add3A_77 : i32
        %lt3A_79 = arith.constant 125 : i32
        %lt3A_80 = arith.cmpi slt, %add3A_78, %lt3A_79 : i32
        %convert_element_type3A_81 = arith.extui %lt3A_80 : i1 to i32
        %cond3A_82 = arith.constant 0 : i32
        %cond3A_83 = arith.cmpi ne, %convert_element_type3A_81, %cond3A_82 : i32
        scf.if %cond3A_83 {
          %add3A_87 = arith.constant 2 : i32
          %add3A_88 = arith.addi %add3A_45, %add3A_87 : i32
          %mul3A_89 = arith.constant 80 : i32
          %mul3A_90 = arith.muli %add3A_88, %mul3A_89 : i32
          %add3A_91 = arith.addi %mul3A_11, %mul3A_90 : i32
          %dma_start3A_92 = tpu.memref_slice %arg4[%add3A_91] : memref<320000xi32, #tpu.memory_space<hbm>> -> memref<80xi32, #tpu.memory_space<hbm>>
          %dma_start3A_93 = tpu.memref_slice %arg4[%add3A_91] : memref<320000xi32, #tpu.memory_space<hbm>> -> memref<80xi32, #tpu.memory_space<hbm>>
          tpu.enqueue_dma source(%dma_start3A_93 : memref<80xi32, #tpu.memory_space<hbm>>) target(%arg9 : memref<80xi32, #tpu.memory_space<vmem>>) target_semaphore(%arg19 : memref<!tpu.dma_semaphore, #tpu.memory_space<semaphore_mem>>)
          %mul3A_94 = arith.constant 80 : i32
          %mul3A_95 = arith.muli %add3A_88, %mul3A_94 : i32
          %dma_start3A_96 = tpu.memref_slice %arg6[%mul3A_95] : memref<10000xi32, #tpu.memory_space<vmem>> -> memref<80xi32, #tpu.memory_space<vmem>>
          %dma_start3A_97 = arith.constant 0 : i32
          %dma_start3A_98 = arith.constant 0 : i32
          %dma_start3A_99 = tpu.memref_slice %arg2[%dma_start3A_97, %dma_start3A_98] : memref<10000x128xf32, #tpu.memory_space<hbm>> -> memref<10000x128xf32, #tpu.memory_space<hbm>>
          tpu.enqueue_indirect_dma source(%dma_start3A_99 : memref<10000x128xf32, #tpu.memory_space<hbm>>) target(%arg12 : memref<80x128xf32, #tpu.memory_space<vmem>>) offsets(%dma_start3A_96 : memref<80xi32, #tpu.memory_space<vmem>>) semaphore(%arg16 : memref<!tpu.dma_semaphore, #tpu.memory_space<semaphore_mem>>)
        } else {
        }
        %dma_start3A_84 = arith.constant 0 : i32
        %dma_start3A_85 = arith.constant 0 : i32
        %dma_start3A_86 = tpu.memref_slice %arg13[%dma_start3A_84, %dma_start3A_85] : memref<10240x128xf32, #tpu.memory_space<vmem_shared>> -> memref<10240x128xf32, #tpu.memory_space<vmem_shared>>
        tpu.enqueue_indirect_dma source(%arg10 : memref<80x128xf32, #tpu.memory_space<vmem>>) target(%dma_start3A_86 : memref<10240x128xf32, #tpu.memory_space<vmem_shared>>) offsets(%arg7 : memref<80xi32, #tpu.memory_space<vmem>>) semaphore(%arg20 : memref<!tpu.dma_semaphore, #tpu.memory_space<semaphore_mem>>) {add = true}
      } else {
      }
      %add3A_48 = arith.constant 1 : i32
      %add3A_49 = arith.addi %add3A_43, %add3A_48 : i32
      %lt3A_50 = arith.constant 125 : i32
      %lt3A_51 = arith.cmpi slt, %add3A_49, %lt3A_50 : i32
      %convert_element_type3A_52 = arith.extui %lt3A_51 : i1 to i32
      %cond3A_53 = arith.constant 0 : i32
      %cond3A_54 = arith.cmpi ne, %convert_element_type3A_52, %cond3A_53 : i32
      scf.if %cond3A_54 {
        %mul3A_62 = arith.constant 80 : i32
        %mul3A_63 = arith.muli %add3A_49, %mul3A_62 : i32
        %add3A_64 = arith.addi %mul3A_11, %mul3A_63 : i32
        %dma_wait3A_65 = tpu.memref_slice %arg4[%add3A_64] : memref<320000xi32, #tpu.memory_space<hbm>> -> memref<80xi32, #tpu.memory_space<hbm>>
        %dma_wait3A_66 = tpu.memref_slice %arg4[%add3A_64] : memref<320000xi32, #tpu.memory_space<hbm>> -> memref<80xi32, #tpu.memory_space<hbm>>
        tpu.wait_dma2 semaphore(%arg18 : memref<!tpu.dma_semaphore, #tpu.memory_space<semaphore_mem>>) src(%dma_wait3A_66 : memref<80xi32, #tpu.memory_space<hbm>>) dst(%arg8 : memref<80xi32, #tpu.memory_space<vmem>>)
        %mul3A_67 = arith.constant 80 : i32
        %mul3A_68 = arith.muli %add3A_49, %mul3A_67 : i32
        %dma_wait3A_69 = tpu.memref_slice %arg6[%mul3A_68] : memref<10000xi32, #tpu.memory_space<vmem>> -> memref<80xi32, #tpu.memory_space<vmem>>
        %dma_wait3A_70 = arith.constant 0 : i32
        %dma_wait3A_71 = arith.constant 0 : i32
        %dma_wait3A_72 = tpu.memref_slice %arg2[%dma_wait3A_70, %dma_wait3A_71] : memref<10000x128xf32, #tpu.memory_space<hbm>> -> memref<10000x128xf32, #tpu.memory_space<hbm>>
        tpu.wait_indirect_dma semaphore(%arg15 : memref<!tpu.dma_semaphore, #tpu.memory_space<semaphore_mem>>) src(%dma_wait3A_72 : memref<10000x128xf32, #tpu.memory_space<hbm>>) dst(%arg11 : memref<80x128xf32, #tpu.memory_space<vmem>>)
        %ge3A = arith.constant 1 : i32
        %ge3A_73 = arith.cmpi sge, %add3A_49, %ge3A : i32
        %convert_element_type3A_74 = arith.extui %ge3A_73 : i1 to i32
        %cond3A_75 = arith.constant 0 : i32
        %cond3A_76 = arith.cmpi ne, %convert_element_type3A_74, %cond3A_75 : i32
        scf.if %cond3A_76 {
          %dma_wait3A_87 = arith.constant 0 : i32
          %dma_wait3A_88 = arith.constant 0 : i32
          %dma_wait3A_89 = tpu.memref_slice %arg13[%dma_wait3A_87, %dma_wait3A_88] : memref<10240x128xf32, #tpu.memory_space<vmem_shared>> -> memref<10240x128xf32, #tpu.memory_space<vmem_shared>>
          tpu.wait_indirect_dma semaphore(%arg20 : memref<!tpu.dma_semaphore, #tpu.memory_space<semaphore_mem>>) src(%arg10 : memref<80x128xf32, #tpu.memory_space<vmem>>) dst(%dma_wait3A_89 : memref<10240x128xf32, #tpu.memory_space<vmem_shared>>)
        } else {
        }
        %add3A_77 = arith.constant 2 : i32
        %add3A_78 = arith.addi %add3A_49, %add3A_77 : i32
        %lt3A_79 = arith.constant 125 : i32
        %lt3A_80 = arith.cmpi slt, %add3A_78, %lt3A_79 : i32
        %convert_element_type3A_81 = arith.extui %lt3A_80 : i1 to i32
        %cond3A_82 = arith.constant 0 : i32
        %cond3A_83 = arith.cmpi ne, %convert_element_type3A_81, %cond3A_82 : i32
        scf.if %cond3A_83 {
          %add3A_87 = arith.constant 2 : i32
          %add3A_88 = arith.addi %add3A_49, %add3A_87 : i32
          %mul3A_89 = arith.constant 80 : i32
          %mul3A_90 = arith.muli %add3A_88, %mul3A_89 : i32
          %add3A_91 = arith.addi %mul3A_11, %mul3A_90 : i32
          %dma_start3A_92 = tpu.memref_slice %arg4[%add3A_91] : memref<320000xi32, #tpu.memory_space<hbm>> -> memref<80xi32, #tpu.memory_space<hbm>>
          %dma_start3A_93 = tpu.memref_slice %arg4[%add3A_91] : memref<320000xi32, #tpu.memory_space<hbm>> -> memref<80xi32, #tpu.memory_space<hbm>>
          tpu.enqueue_dma source(%dma_start3A_93 : memref<80xi32, #tpu.memory_space<hbm>>) target(%arg7 : memref<80xi32, #tpu.memory_space<vmem>>) target_semaphore(%arg17 : memref<!tpu.dma_semaphore, #tpu.memory_space<semaphore_mem>>)
          %mul3A_94 = arith.constant 80 : i32
          %mul3A_95 = arith.muli %add3A_88, %mul3A_94 : i32
          %dma_start3A_96 = tpu.memref_slice %arg6[%mul3A_95] : memref<10000xi32, #tpu.memory_space<vmem>> -> memref<80xi32, #tpu.memory_space<vmem>>
          %dma_start3A_97 = arith.constant 0 : i32
          %dma_start3A_98 = arith.constant 0 : i32
          %dma_start3A_99 = tpu.memref_slice %arg2[%dma_start3A_97, %dma_start3A_98] : memref<10000x128xf32, #tpu.memory_space<hbm>> -> memref<10000x128xf32, #tpu.memory_space<hbm>>
          tpu.enqueue_indirect_dma source(%dma_start3A_99 : memref<10000x128xf32, #tpu.memory_space<hbm>>) target(%arg10 : memref<80x128xf32, #tpu.memory_space<vmem>>) offsets(%dma_start3A_96 : memref<80xi32, #tpu.memory_space<vmem>>) semaphore(%arg14 : memref<!tpu.dma_semaphore, #tpu.memory_space<semaphore_mem>>)
        } else {
        }
        %dma_start3A_84 = arith.constant 0 : i32
        %dma_start3A_85 = arith.constant 0 : i32
        %dma_start3A_86 = tpu.memref_slice %arg13[%dma_start3A_84, %dma_start3A_85] : memref<10240x128xf32, #tpu.memory_space<vmem_shared>> -> memref<10240x128xf32, #tpu.memory_space<vmem_shared>>
        tpu.enqueue_indirect_dma source(%arg11 : memref<80x128xf32, #tpu.memory_space<vmem>>) target(%dma_start3A_86 : memref<10240x128xf32, #tpu.memory_space<vmem_shared>>) offsets(%arg8 : memref<80xi32, #tpu.memory_space<vmem>>) semaphore(%arg21 : memref<!tpu.dma_semaphore, #tpu.memory_space<semaphore_mem>>) {add = true}
      } else {
      }
      %add3A_55 = arith.constant 2 : i32
      %add3A_56 = arith.addi %add3A_43, %add3A_55 : i32
      %lt3A_57 = arith.constant 125 : i32
      %lt3A_58 = arith.cmpi slt, %add3A_56, %lt3A_57 : i32
      %convert_element_type3A_59 = arith.extui %lt3A_58 : i1 to i32
      %cond3A_60 = arith.constant 0 : i32
      %cond3A_61 = arith.cmpi ne, %convert_element_type3A_59, %cond3A_60 : i32
      scf.if %cond3A_61 {
        %mul3A_62 = arith.constant 80 : i32
        %mul3A_63 = arith.muli %add3A_56, %mul3A_62 : i32
        %add3A_64 = arith.addi %mul3A_11, %mul3A_63 : i32
        %dma_wait3A_65 = tpu.memref_slice %arg4[%add3A_64] : memref<320000xi32, #tpu.memory_space<hbm>> -> memref<80xi32, #tpu.memory_space<hbm>>
        %dma_wait3A_66 = tpu.memref_slice %arg4[%add3A_64] : memref<320000xi32, #tpu.memory_space<hbm>> -> memref<80xi32, #tpu.memory_space<hbm>>
        tpu.wait_dma2 semaphore(%arg19 : memref<!tpu.dma_semaphore, #tpu.memory_space<semaphore_mem>>) src(%dma_wait3A_66 : memref<80xi32, #tpu.memory_space<hbm>>) dst(%arg9 : memref<80xi32, #tpu.memory_space<vmem>>)
        %mul3A_67 = arith.constant 80 : i32
        %mul3A_68 = arith.muli %add3A_56, %mul3A_67 : i32
        %dma_wait3A_69 = tpu.memref_slice %arg6[%mul3A_68] : memref<10000xi32, #tpu.memory_space<vmem>> -> memref<80xi32, #tpu.memory_space<vmem>>
        %dma_wait3A_70 = arith.constant 0 : i32
        %dma_wait3A_71 = arith.constant 0 : i32
        %dma_wait3A_72 = tpu.memref_slice %arg2[%dma_wait3A_70, %dma_wait3A_71] : memref<10000x128xf32, #tpu.memory_space<hbm>> -> memref<10000x128xf32, #tpu.memory_space<hbm>>
        tpu.wait_indirect_dma semaphore(%arg16 : memref<!tpu.dma_semaphore, #tpu.memory_space<semaphore_mem>>) src(%dma_wait3A_72 : memref<10000x128xf32, #tpu.memory_space<hbm>>) dst(%arg12 : memref<80x128xf32, #tpu.memory_space<vmem>>)
        %ge3A = arith.constant 1 : i32
        %ge3A_73 = arith.cmpi sge, %add3A_56, %ge3A : i32
        %convert_element_type3A_74 = arith.extui %ge3A_73 : i1 to i32
        %cond3A_75 = arith.constant 0 : i32
        %cond3A_76 = arith.cmpi ne, %convert_element_type3A_74, %cond3A_75 : i32
        scf.if %cond3A_76 {
          %dma_wait3A_87 = arith.constant 0 : i32
          %dma_wait3A_88 = arith.constant 0 : i32
          %dma_wait3A_89 = tpu.memref_slice %arg13[%dma_wait3A_87, %dma_wait3A_88] : memref<10240x128xf32, #tpu.memory_space<vmem_shared>> -> memref<10240x128xf32, #tpu.memory_space<vmem_shared>>
          tpu.wait_indirect_dma semaphore(%arg21 : memref<!tpu.dma_semaphore, #tpu.memory_space<semaphore_mem>>) src(%arg11 : memref<80x128xf32, #tpu.memory_space<vmem>>) dst(%dma_wait3A_89 : memref<10240x128xf32, #tpu.memory_space<vmem_shared>>)
        } else {
        }
        %add3A_77 = arith.constant 2 : i32
        %add3A_78 = arith.addi %add3A_56, %add3A_77 : i32
        %lt3A_79 = arith.constant 125 : i32
        %lt3A_80 = arith.cmpi slt, %add3A_78, %lt3A_79 : i32
        %convert_element_type3A_81 = arith.extui %lt3A_80 : i1 to i32
        %cond3A_82 = arith.constant 0 : i32
        %cond3A_83 = arith.cmpi ne, %convert_element_type3A_81, %cond3A_82 : i32
        scf.if %cond3A_83 {
          %add3A_87 = arith.constant 2 : i32
          %add3A_88 = arith.addi %add3A_56, %add3A_87 : i32
          %mul3A_89 = arith.constant 80 : i32
          %mul3A_90 = arith.muli %add3A_88, %mul3A_89 : i32
          %add3A_91 = arith.addi %mul3A_11, %mul3A_90 : i32
          %dma_start3A_92 = tpu.memref_slice %arg4[%add3A_91] : memref<320000xi32, #tpu.memory_space<hbm>> -> memref<80xi32, #tpu.memory_space<hbm>>
          %dma_start3A_93 = tpu.memref_slice %arg4[%add3A_91] : memref<320000xi32, #tpu.memory_space<hbm>> -> memref<80xi32, #tpu.memory_space<hbm>>
          tpu.enqueue_dma source(%dma_start3A_93 : memref<80xi32, #tpu.memory_space<hbm>>) target(%arg8 : memref<80xi32, #tpu.memory_space<vmem>>) target_semaphore(%arg18 : memref<!tpu.dma_semaphore, #tpu.memory_space<semaphore_mem>>)
          %mul3A_94 = arith.constant 80 : i32
          %mul3A_95 = arith.muli %add3A_88, %mul3A_94 : i32
          %dma_start3A_96 = tpu.memref_slice %arg6[%mul3A_95] : memref<10000xi32, #tpu.memory_space<vmem>> -> memref<80xi32, #tpu.memory_space<vmem>>
          %dma_start3A_97 = arith.constant 0 : i32
          %dma_start3A_98 = arith.constant 0 : i32
          %dma_start3A_99 = tpu.memref_slice %arg2[%dma_start3A_97, %dma_start3A_98] : memref<10000x128xf32, #tpu.memory_space<hbm>> -> memref<10000x128xf32, #tpu.memory_space<hbm>>
          tpu.enqueue_indirect_dma source(%dma_start3A_99 : memref<10000x128xf32, #tpu.memory_space<hbm>>) target(%arg11 : memref<80x128xf32, #tpu.memory_space<vmem>>) offsets(%dma_start3A_96 : memref<80xi32, #tpu.memory_space<vmem>>) semaphore(%arg15 : memref<!tpu.dma_semaphore, #tpu.memory_space<semaphore_mem>>)
        } else {
        }
        %dma_start3A_84 = arith.constant 0 : i32
        %dma_start3A_85 = arith.constant 0 : i32
        %dma_start3A_86 = tpu.memref_slice %arg13[%dma_start3A_84, %dma_start3A_85] : memref<10240x128xf32, #tpu.memory_space<vmem_shared>> -> memref<10240x128xf32, #tpu.memory_space<vmem_shared>>
        tpu.enqueue_indirect_dma source(%arg12 : memref<80x128xf32, #tpu.memory_space<vmem>>) target(%dma_start3A_86 : memref<10240x128xf32, #tpu.memory_space<vmem_shared>>) offsets(%arg9 : memref<80xi32, #tpu.memory_space<vmem>>) semaphore(%arg22 : memref<!tpu.dma_semaphore, #tpu.memory_space<semaphore_mem>>) {add = true}
      } else {
      }
    }
    %scan3A_33 = arith.constant 42 : i32
    %dma_wait3A = arith.constant 0 : i32
    %dma_wait3A_34 = arith.constant 0 : i32
    %dma_wait3A_35 = tpu.memref_slice %arg13[%dma_wait3A, %dma_wait3A_34] : memref<10240x128xf32, #tpu.memory_space<vmem_shared>> -> memref<10240x128xf32, #tpu.memory_space<vmem_shared>>
    tpu.wait_indirect_dma semaphore(%arg21 : memref<!tpu.dma_semaphore, #tpu.memory_space<semaphore_mem>>) src(%arg11 : memref<80x128xf32, #tpu.memory_space<vmem>>) dst(%dma_wait3A_35 : memref<10240x128xf32, #tpu.memory_space<vmem_shared>>)
    %barrier3A_36 = arith.constant 0 : index
    tpu.barrier barrier_id(%barrier3A_36)
    %mul3A_37 = arith.constant 640 : i32
    %mul3A_38 = arith.muli %arg1, %mul3A_37 : i32
    "tpu.region"() ({
      %run_scoped3A = tpu.sem_alloc : memref<!tpu.dma_semaphore, #tpu.memory_space<semaphore_mem>>
      %dma_start3A_39 = arith.constant 0 : i32
      %dma_start3A_40 = tpu.memref_slice %arg5[%arg0, %mul3A_38, %dma_start3A_39] : memref<2x10240x128xf32, #tpu.memory_space<hbm>> -> memref<1x640x128xf32, #tpu.memory_space<hbm>>
      %dma_start3A_41 = tpu.memref_squeeze %dma_start3A_40 : memref<1x640x128xf32, #tpu.memory_space<hbm>> -> memref<640x128xf32, #tpu.memory_space<hbm>>
      %dma_start3A_42 = arith.constant 0 : i32
      %dma_start3A_43 = tpu.memref_slice %arg13[%mul3A_38, %dma_start3A_42] : memref<10240x128xf32, #tpu.memory_space<vmem_shared>> -> memref<640x128xf32, #tpu.memory_space<vmem_shared>>
      tpu.enqueue_dma source(%dma_start3A_43 : memref<640x128xf32, #tpu.memory_space<vmem_shared>>) target(%dma_start3A_41 : memref<640x128xf32, #tpu.memory_space<hbm>>) target_semaphore(%run_scoped3A : memref<!tpu.dma_semaphore, #tpu.memory_space<semaphore_mem>>)
      %dma_wait3A_44 = arith.constant 0 : i32
      %dma_wait3A_45 = tpu.memref_slice %arg5[%arg0, %mul3A_38, %dma_wait3A_44] : memref<2x10240x128xf32, #tpu.memory_space<hbm>> -> memref<1x640x128xf32, #tpu.memory_space<hbm>>
      %dma_wait3A_46 = tpu.memref_squeeze %dma_wait3A_45 : memref<1x640x128xf32, #tpu.memory_space<hbm>> -> memref<640x128xf32, #tpu.memory_space<hbm>>
      %dma_wait3A_47 = arith.constant 0 : i32
      %dma_wait3A_48 = tpu.memref_slice %arg13[%mul3A_38, %dma_wait3A_47] : memref<10240x128xf32, #tpu.memory_space<vmem_shared>> -> memref<640x128xf32, #tpu.memory_space<vmem_shared>>
      tpu.wait_dma2 semaphore(%run_scoped3A : memref<!tpu.dma_semaphore, #tpu.memory_space<semaphore_mem>>) src(%dma_wait3A_48 : memref<640x128xf32, #tpu.memory_space<vmem_shared>>) dst(%dma_wait3A_46 : memref<640x128xf32, #tpu.memory_space<hbm>>)
      tpu.yield
    }) : () -> ()
    return
  }
}

#map = affine_map<(d0, d1) -> (0, 0)>
#map1 = affine_map<(d0, d1) -> (0)>
#map2 = affine_map<(d0, d1) -> (0, 0, 0)>
module attributes {stable_mosaic.version = 14 : i64} {
  func.func @_edge_kernel(%arg0: i32, %arg1: i32, %arg2: memref<10000x128xf32, #tpu.memory_space<hbm>>, %arg3: memref<320000xi32, #tpu.memory_space<hbm>>, %arg4: memref<320000xi32, #tpu.memory_space<hbm>>, %arg5: memref<2x10240x128xf32, #tpu.memory_space<hbm>>, %arg6: memref<10000xi32, #tpu.memory_space<vmem>>, %arg7: memref<80xi32, #tpu.memory_space<vmem>>, %arg8: memref<80xi32, #tpu.memory_space<vmem>>, %arg9: memref<80xi32, #tpu.memory_space<vmem>>, %arg10: memref<80x128xf32, #tpu.memory_space<vmem>>, %arg11: memref<80x128xf32, #tpu.memory_space<vmem>>, %arg12: memref<80x128xf32, #tpu.memory_space<vmem>>, %arg13: memref<10240x128xf32, #tpu.memory_space<vmem_shared>>, %arg14: memref<!tpu.dma_semaphore, #tpu.memory_space<semaphore_mem>>, %arg15: memref<!tpu.dma_semaphore, #tpu.memory_space<semaphore_mem>>, %arg16: memref<!tpu.dma_semaphore, #tpu.memory_space<semaphore_mem>>, %arg17: memref<!tpu.dma_semaphore, #tpu.memory_space<semaphore_mem>>, %arg18: memref<!tpu.dma_semaphore, #tpu.memory_space<semaphore_mem>>, %arg19: memref<!tpu.dma_semaphore, #tpu.memory_space<semaphore_mem>>, %arg20: memref<!tpu.dma_semaphore, #tpu.memory_space<semaphore_mem>>, %arg21: memref<!tpu.dma_semaphore, #tpu.memory_space<semaphore_mem>>, %arg22: memref<!tpu.dma_semaphore, #tpu.memory_space<semaphore_mem>>) attributes {dimension_semantics = [#tpu.dimension_semantics<core_parallel>, #tpu.dimension_semantics<subcore_parallel>], iteration_bounds = array<i64: 2, 16>, scalar_prefetch = 0 : i64, scratch_operands = 17 : i64, tpu.core_type = #tpu.core_type<sc_vector_subcore>, window_params = [{transform_indices = #map}, {transform_indices = #map1}, {transform_indices = #map1}, {transform_indices = #map2}]} {
    %mul3A = arith.constant 2 : i32
    %mul3A_0 = arith.muli %arg1, %mul3A : i32
    %add3A = arith.addi %mul3A_0, %arg0 : i32
    %scan3A = arith.constant 0 : i32
    %scan3A_1 = arith.constant 640 : i32
    %scan3A_2 = arith.addi %scan3A, %scan3A_1 : i32
    %scan3A_3 = arith.constant 1 : i32
    scf.for %scan3A_39 = %scan3A to %scan3A_2 step %scan3A_3  : i32 {
      %mul3A_40 = arith.constant 1 : i32
      %mul3A_41 = arith.muli %scan3A_39, %mul3A_40 : i32
      %add3A_42 = arith.constant 0 : i32
      %add3A_43 = arith.addi %add3A_42, %mul3A_41 : i32
      %jit3A = arith.constant 8 : i32
      %div3A = arith.divsi %add3A_43, %jit3A : i32
      %sign3A = arith.constant 0 : i32
      %sign3A_44 = arith.cmpi sgt, %add3A_43, %sign3A : i32
      %sign3A_45 = arith.extui %sign3A_44 : i1 to i32
      %sign3A_46 = arith.constant 0 : i32
      %sign3A_47 = arith.cmpi slt, %add3A_43, %sign3A_46 : i32
      %sign3A_48 = arith.extui %sign3A_47 : i1 to i32
      %sign3A_49 = arith.subi %sign3A_45, %sign3A_48 : i32
      %sign3A_50 = arith.constant 0 : i32
      %sign3A_51 = arith.cmpi sgt, %jit3A, %sign3A_50 : i32
      %sign3A_52 = arith.extui %sign3A_51 : i1 to i32
      %sign3A_53 = arith.constant 0 : i32
      %sign3A_54 = arith.cmpi slt, %jit3A, %sign3A_53 : i32
      %sign3A_55 = arith.extui %sign3A_54 : i1 to i32
      %sign3A_56 = arith.subi %sign3A_52, %sign3A_55 : i32
      %ne3A = arith.cmpi ne, %sign3A_49, %sign3A_56 : i32
      %rem3A = arith.remsi %add3A_43, %jit3A : i32
      %ne3A_57 = arith.constant 0 : i32
      %ne3A_58 = arith.cmpi ne, %rem3A, %ne3A_57 : i32
      %and3A = arith.andi %ne3A, %ne3A_58 : i1
      %sub3A = arith.constant 1 : i32
      %sub3A_59 = arith.subi %div3A, %sub3A : i32
      %select_n3A = arith.select %and3A, %sub3A_59, %div3A : i32
      %jit3A_60 = arith.constant 8 : i32
      %eq3A = arith.constant 0 : i32
      %eq3A_61 = arith.cmpi eq, %jit3A_60, %eq3A : i32
      %jit3A_62 = arith.constant 1 : i32
      %select_n3A_63 = arith.select %eq3A_61, %jit3A_62, %jit3A_60 : i32
      %rem3A_64 = arith.remsi %add3A_43, %select_n3A_63 : i32
      %ne3A_65 = arith.constant 0 : i32
      %ne3A_66 = arith.cmpi ne, %rem3A_64, %ne3A_65 : i32
      %lt3A = arith.constant 0 : i32
      %lt3A_67 = arith.cmpi slt, %rem3A_64, %lt3A : i32
      %lt3A_68 = arith.constant 0 : i32
      %lt3A_69 = arith.cmpi slt, %select_n3A_63, %lt3A_68 : i32
      %ne3A_70 = arith.xori %lt3A_67, %lt3A_69 : i1
      %and3A_71 = arith.andi %ne3A_70, %ne3A_66 : i1
      %add3A_72 = arith.addi %rem3A_64, %select_n3A_63 : i32
      %select_n3A_73 = arith.select %and3A_71, %add3A_72, %rem3A_64 : i32
      %mul3A_74 = arith.constant 16 : i32
      %mul3A_75 = arith.muli %select_n3A_73, %mul3A_74 : i32
      %broadcast_in_dim3A = arith.constant 0.000000e+00 : f32
      %broadcast_in_dim3A_76 = vector.broadcast %broadcast_in_dim3A : f32 to vector<16xf32>
      %swap3A = arith.index_cast %select_n3A : i32 to index
      %swap3A_77 = arith.index_cast %mul3A_75 : i32 to index
      %swap3A_78 = tpu.vector_load %arg10[%swap3A, %swap3A_77] {strides = array<i32>} : memref<80x128xf32, #tpu.memory_space<vmem>>, vector<1x16xf32>,
      %swap3A_79 = vector.shape_cast %swap3A_78 : vector<1x16xf32> to vector<16xf32>
      %swap3A_80 = vector.shape_cast %broadcast_in_dim3A_76 : vector<16xf32> to vector<1x16xf32>
      tpu.vector_store %arg10[%swap3A, %swap3A_77], %swap3A_80 {strides = array<i32>} : memref<80x128xf32, #tpu.memory_space<vmem>>, vector<1x16xf32>,
    }
    %scan3A_4 = arith.constant 640 : i32
    %scan3A_5 = arith.constant 0 : i32
    %scan3A_6 = arith.constant 8 : i32
    %scan3A_7 = arith.addi %scan3A_5, %scan3A_6 : i32
    %scan3A_8 = arith.constant 1 : i32
    scf.for %scan3A_39 = %scan3A_5 to %scan3A_7 step %scan3A_8  : i32 {
      %mul3A_40 = arith.constant 1 : i32
      %mul3A_41 = arith.muli %scan3A_39, %mul3A_40 : i32
      %add3A_42 = arith.constant 0 : i32
      %add3A_43 = arith.addi %add3A_42, %mul3A_41 : i32
      %mul3A_44 = arith.constant 640 : i32
      %mul3A_45 = arith.muli %arg1, %mul3A_44 : i32
      %mul3A_46 = arith.constant 80 : i32
      %mul3A_47 = arith.muli %add3A_43, %mul3A_46 : i32
      %add3A_48 = arith.addi %mul3A_45, %mul3A_47 : i32
      "tpu.region"() ({
        %run_scoped3A = tpu.sem_alloc : memref<!tpu.dma_semaphore, #tpu.memory_space<semaphore_mem>>
        %dma_start3A_49 = arith.constant 0 : i32
        %dma_start3A_50 = tpu.memref_slice %arg13[%add3A_48, %dma_start3A_49] : memref<10240x128xf32, #tpu.memory_space<vmem_shared>> -> memref<80x128xf32, #tpu.memory_space<vmem_shared>>
        %dma_start3A_51 = arith.constant 0 : i32
        %dma_start3A_52 = tpu.memref_slice %arg13[%add3A_48, %dma_start3A_51] : memref<10240x128xf32, #tpu.memory_space<vmem_shared>> -> memref<80x128xf32, #tpu.memory_space<vmem_shared>>
        tpu.enqueue_dma source(%arg10 : memref<80x128xf32, #tpu.memory_space<vmem>>) target(%dma_start3A_52 : memref<80x128xf32, #tpu.memory_space<vmem_shared>>) target_semaphore(%run_scoped3A : memref<!tpu.dma_semaphore, #tpu.memory_space<semaphore_mem>>)
        %dma_wait3A_53 = arith.constant 0 : i32
        %dma_wait3A_54 = tpu.memref_slice %arg13[%add3A_48, %dma_wait3A_53] : memref<10240x128xf32, #tpu.memory_space<vmem_shared>> -> memref<80x128xf32, #tpu.memory_space<vmem_shared>>
        %dma_wait3A_55 = arith.constant 0 : i32
        %dma_wait3A_56 = tpu.memref_slice %arg13[%add3A_48, %dma_wait3A_55] : memref<10240x128xf32, #tpu.memory_space<vmem_shared>> -> memref<80x128xf32, #tpu.memory_space<vmem_shared>>
        tpu.wait_dma2 semaphore(%run_scoped3A : memref<!tpu.dma_semaphore, #tpu.memory_space<semaphore_mem>>) src(%arg10 : memref<80x128xf32, #tpu.memory_space<vmem>>) dst(%dma_wait3A_56 : memref<80x128xf32, #tpu.memory_space<vmem_shared>>)
        tpu.yield
      }) : () -> ()
    }
    %scan3A_9 = arith.constant 8 : i32
    %mul3A_10 = arith.constant 10000 : i32
    %mul3A_11 = arith.muli %add3A, %mul3A_10 : i32
    "tpu.region"() ({
      %run_scoped3A = tpu.sem_alloc : memref<!tpu.dma_semaphore, #tpu.memory_space<semaphore_mem>>
      %dma_start3A_39 = tpu.memref_slice %arg3[%mul3A_11] : memref<320000xi32, #tpu.memory_space<hbm>> -> memref<10000xi32, #tpu.memory_space<hbm>>
      %dma_start3A_40 = tpu.memref_slice %arg3[%mul3A_11] : memref<320000xi32, #tpu.memory_space<hbm>> -> memref<10000xi32, #tpu.memory_space<hbm>>
      tpu.enqueue_dma source(%dma_start3A_40 : memref<10000xi32, #tpu.memory_space<hbm>>) target(%arg6 : memref<10000xi32, #tpu.memory_space<vmem>>) target_semaphore(%run_scoped3A : memref<!tpu.dma_semaphore, #tpu.memory_space<semaphore_mem>>)
      %dma_wait3A_41 = tpu.memref_slice %arg3[%mul3A_11] : memref<320000xi32, #tpu.memory_space<hbm>> -> memref<10000xi32, #tpu.memory_space<hbm>>
      %dma_wait3A_42 = tpu.memref_slice %arg3[%mul3A_11] : memref<320000xi32, #tpu.memory_space<hbm>> -> memref<10000xi32, #tpu.memory_space<hbm>>
      tpu.wait_dma2 semaphore(%run_scoped3A : memref<!tpu.dma_semaphore, #tpu.memory_space<semaphore_mem>>) src(%dma_wait3A_42 : memref<10000xi32, #tpu.memory_space<hbm>>) dst(%arg6 : memref<10000xi32, #tpu.memory_space<vmem>>)
      tpu.yield
    }) : () -> ()
    %barrier3A = arith.constant 0 : index
    tpu.barrier barrier_id(%barrier3A)
    %add3A_12 = arith.constant 0 : i32
    %add3A_13 = arith.addi %mul3A_11, %add3A_12 : i32
    %dma_start3A = tpu.memref_slice %arg4[%add3A_13] : memref<320000xi32, #tpu.memory_space<hbm>> -> memref<80xi32, #tpu.memory_space<hbm>>
    %dma_start3A_14 = tpu.memref_slice %arg4[%add3A_13] : memref<320000xi32, #tpu.memory_space<hbm>> -> memref<80xi32, #tpu.memory_space<hbm>>
    tpu.enqueue_dma source(%dma_start3A_14 : memref<80xi32, #tpu.memory_space<hbm>>) target(%arg7 : memref<80xi32, #tpu.memory_space<vmem>>) target_semaphore(%arg17 : memref<!tpu.dma_semaphore, #tpu.memory_space<semaphore_mem>>)
    %dma_start3A_15 = arith.constant 0 : i32
    %dma_start3A_16 = tpu.memref_slice %arg6[%dma_start3A_15] : memref<10000xi32, #tpu.memory_space<vmem>> -> memref<80xi32, #tpu.memory_space<vmem>>
    %dma_start3A_17 = arith.constant 0 : i32
    %dma_start3A_18 = arith.constant 0 : i32
    %dma_start3A_19 = tpu.memref_slice %arg2[%dma_start3A_17, %dma_start3A_18] : memref<10000x128xf32, #tpu.memory_space<hbm>> -> memref<10000x128xf32, #tpu.memory_space<hbm>>
    tpu.enqueue_indirect_dma source(%dma_start3A_19 : memref<10000x128xf32, #tpu.memory_space<hbm>>) target(%arg10 : memref<80x128xf32, #tpu.memory_space<vmem>>) offsets(%dma_start3A_16 : memref<80xi32, #tpu.memory_space<vmem>>) semaphore(%arg14 : memref<!tpu.dma_semaphore, #tpu.memory_space<semaphore_mem>>)
    %add3A_20 = arith.constant 80 : i32
    %add3A_21 = arith.addi %mul3A_11, %add3A_20 : i32
    %dma_start3A_22 = tpu.memref_slice %arg4[%add3A_21] : memref<320000xi32, #tpu.memory_space<hbm>> -> memref<80xi32, #tpu.memory_space<hbm>>
    %dma_start3A_23 = tpu.memref_slice %arg4[%add3A_21] : memref<320000xi32, #tpu.memory_space<hbm>> -> memref<80xi32, #tpu.memory_space<hbm>>
    tpu.enqueue_dma source(%dma_start3A_23 : memref<80xi32, #tpu.memory_space<hbm>>) target(%arg8 : memref<80xi32, #tpu.memory_space<vmem>>) target_semaphore(%arg18 : memref<!tpu.dma_semaphore, #tpu.memory_space<semaphore_mem>>)
    %dma_start3A_24 = arith.constant 80 : i32
    %dma_start3A_25 = tpu.memref_slice %arg6[%dma_start3A_24] : memref<10000xi32, #tpu.memory_space<vmem>> -> memref<80xi32, #tpu.memory_space<vmem>>
    %dma_start3A_26 = arith.constant 0 : i32
    %dma_start3A_27 = arith.constant 0 : i32
    %dma_start3A_28 = tpu.memref_slice %arg2[%dma_start3A_26, %dma_start3A_27] : memref<10000x128xf32, #tpu.memory_space<hbm>> -> memref<10000x128xf32, #tpu.memory_space<hbm>>
    tpu.enqueue_indirect_dma source(%dma_start3A_28 : memref<10000x128xf32, #tpu.memory_space<hbm>>) target(%arg11 : memref<80x128xf32, #tpu.memory_space<vmem>>) offsets(%dma_start3A_25 : memref<80xi32, #tpu.memory_space<vmem>>) semaphore(%arg15 : memref<!tpu.dma_semaphore, #tpu.memory_space<semaphore_mem>>)
    %scan3A_29 = arith.constant 0 : i32
    %scan3A_30 = arith.constant 42 : i32
    %scan3A_31 = arith.addi %scan3A_29, %scan3A_30 : i32
    %scan3A_32 = arith.constant 1 : i32
    scf.for %scan3A_39 = %scan3A_29 to %scan3A_31 step %scan3A_32  : i32 {
      %mul3A_40 = arith.constant 3 : i32
      %mul3A_41 = arith.muli %scan3A_39, %mul3A_40 : i32
      %add3A_42 = arith.constant 0 : i32
      %add3A_43 = arith.addi %add3A_42, %mul3A_41 : i32
      %add3A_44 = arith.constant 0 : i32
      %add3A_45 = arith.addi %add3A_43, %add3A_44 : i32
      %lt3A = arith.constant 125 : i32
      %lt3A_46 = arith.cmpi slt, %add3A_45, %lt3A : i32
      %convert_element_type3A = arith.extui %lt3A_46 : i1 to i32
      %cond3A = arith.constant 0 : i32
      %cond3A_47 = arith.cmpi ne, %convert_element_type3A, %cond3A : i32
      scf.if %cond3A_47 {
        %mul3A_62 = arith.constant 80 : i32
        %mul3A_63 = arith.muli %add3A_45, %mul3A_62 : i32
        %add3A_64 = arith.addi %mul3A_11, %mul3A_63 : i32
        %dma_wait3A_65 = tpu.memref_slice %arg4[%add3A_64] : memref<320000xi32, #tpu.memory_space<hbm>> -> memref<80xi32, #tpu.memory_space<hbm>>
        %dma_wait3A_66 = tpu.memref_slice %arg4[%add3A_64] : memref<320000xi32, #tpu.memory_space<hbm>> -> memref<80xi32, #tpu.memory_space<hbm>>
        tpu.wait_dma2 semaphore(%arg17 : memref<!tpu.dma_semaphore, #tpu.memory_space<semaphore_mem>>) src(%dma_wait3A_66 : memref<80xi32, #tpu.memory_space<hbm>>) dst(%arg7 : memref<80xi32, #tpu.memory_space<vmem>>)
        %mul3A_67 = arith.constant 80 : i32
        %mul3A_68 = arith.muli %add3A_45, %mul3A_67 : i32
        %dma_wait3A_69 = tpu.memref_slice %arg6[%mul3A_68] : memref<10000xi32, #tpu.memory_space<vmem>> -> memref<80xi32, #tpu.memory_space<vmem>>
        %dma_wait3A_70 = arith.constant 0 : i32
        %dma_wait3A_71 = arith.constant 0 : i32
        %dma_wait3A_72 = tpu.memref_slice %arg2[%dma_wait3A_70, %dma_wait3A_71] : memref<10000x128xf32, #tpu.memory_space<hbm>> -> memref<10000x128xf32, #tpu.memory_space<hbm>>
        tpu.wait_indirect_dma semaphore(%arg14 : memref<!tpu.dma_semaphore, #tpu.memory_space<semaphore_mem>>) src(%dma_wait3A_72 : memref<10000x128xf32, #tpu.memory_space<hbm>>) dst(%arg10 : memref<80x128xf32, #tpu.memory_space<vmem>>)
        %ge3A = arith.constant 1 : i32
        %ge3A_73 = arith.cmpi sge, %add3A_45, %ge3A : i32
        %convert_element_type3A_74 = arith.extui %ge3A_73 : i1 to i32
        %cond3A_75 = arith.constant 0 : i32
        %cond3A_76 = arith.cmpi ne, %convert_element_type3A_74, %cond3A_75 : i32
        scf.if %cond3A_76 {
          %dma_wait3A_87 = arith.constant 0 : i32
          %dma_wait3A_88 = arith.constant 0 : i32
          %dma_wait3A_89 = tpu.memref_slice %arg13[%dma_wait3A_87, %dma_wait3A_88] : memref<10240x128xf32, #tpu.memory_space<vmem_shared>> -> memref<10240x128xf32, #tpu.memory_space<vmem_shared>>
          tpu.wait_indirect_dma semaphore(%arg22 : memref<!tpu.dma_semaphore, #tpu.memory_space<semaphore_mem>>) src(%arg12 : memref<80x128xf32, #tpu.memory_space<vmem>>) dst(%dma_wait3A_89 : memref<10240x128xf32, #tpu.memory_space<vmem_shared>>)
        } else {
        }
        %add3A_77 = arith.constant 2 : i32
        %add3A_78 = arith.addi %add3A_45, %add3A_77 : i32
        %lt3A_79 = arith.constant 125 : i32
        %lt3A_80 = arith.cmpi slt, %add3A_78, %lt3A_79 : i32
        %convert_element_type3A_81 = arith.extui %lt3A_80 : i1 to i32
        %cond3A_82 = arith.constant 0 : i32
        %cond3A_83 = arith.cmpi ne, %convert_element_type3A_81, %cond3A_82 : i32
        scf.if %cond3A_83 {
          %add3A_87 = arith.constant 2 : i32
          %add3A_88 = arith.addi %add3A_45, %add3A_87 : i32
          %mul3A_89 = arith.constant 80 : i32
          %mul3A_90 = arith.muli %add3A_88, %mul3A_89 : i32
          %add3A_91 = arith.addi %mul3A_11, %mul3A_90 : i32
          %dma_start3A_92 = tpu.memref_slice %arg4[%add3A_91] : memref<320000xi32, #tpu.memory_space<hbm>> -> memref<80xi32, #tpu.memory_space<hbm>>
          %dma_start3A_93 = tpu.memref_slice %arg4[%add3A_91] : memref<320000xi32, #tpu.memory_space<hbm>> -> memref<80xi32, #tpu.memory_space<hbm>>
          tpu.enqueue_dma source(%dma_start3A_93 : memref<80xi32, #tpu.memory_space<hbm>>) target(%arg9 : memref<80xi32, #tpu.memory_space<vmem>>) target_semaphore(%arg19 : memref<!tpu.dma_semaphore, #tpu.memory_space<semaphore_mem>>)
          %mul3A_94 = arith.constant 80 : i32
          %mul3A_95 = arith.muli %add3A_88, %mul3A_94 : i32
          %dma_start3A_96 = tpu.memref_slice %arg6[%mul3A_95] : memref<10000xi32, #tpu.memory_space<vmem>> -> memref<80xi32, #tpu.memory_space<vmem>>
          %dma_start3A_97 = arith.constant 0 : i32
          %dma_start3A_98 = arith.constant 0 : i32
          %dma_start3A_99 = tpu.memref_slice %arg2[%dma_start3A_97, %dma_start3A_98] : memref<10000x128xf32, #tpu.memory_space<hbm>> -> memref<10000x128xf32, #tpu.memory_space<hbm>>
          tpu.enqueue_indirect_dma source(%dma_start3A_99 : memref<10000x128xf32, #tpu.memory_space<hbm>>) target(%arg12 : memref<80x128xf32, #tpu.memory_space<vmem>>) offsets(%dma_start3A_96 : memref<80xi32, #tpu.memory_space<vmem>>) semaphore(%arg16 : memref<!tpu.dma_semaphore, #tpu.memory_space<semaphore_mem>>)
        } else {
        }
        %dma_start3A_84 = arith.constant 0 : i32
        %dma_start3A_85 = arith.constant 0 : i32
        %dma_start3A_86 = tpu.memref_slice %arg13[%dma_start3A_84, %dma_start3A_85] : memref<10240x128xf32, #tpu.memory_space<vmem_shared>> -> memref<10240x128xf32, #tpu.memory_space<vmem_shared>>
        tpu.enqueue_indirect_dma source(%arg10 : memref<80x128xf32, #tpu.memory_space<vmem>>) target(%dma_start3A_86 : memref<10240x128xf32, #tpu.memory_space<vmem_shared>>) offsets(%arg7 : memref<80xi32, #tpu.memory_space<vmem>>) semaphore(%arg20 : memref<!tpu.dma_semaphore, #tpu.memory_space<semaphore_mem>>) {add = true}
      } else {
      }
      %add3A_48 = arith.constant 1 : i32
      %add3A_49 = arith.addi %add3A_43, %add3A_48 : i32
      %lt3A_50 = arith.constant 125 : i32
      %lt3A_51 = arith.cmpi slt, %add3A_49, %lt3A_50 : i32
      %convert_element_type3A_52 = arith.extui %lt3A_51 : i1 to i32
      %cond3A_53 = arith.constant 0 : i32
      %cond3A_54 = arith.cmpi ne, %convert_element_type3A_52, %cond3A_53 : i32
      scf.if %cond3A_54 {
        %mul3A_62 = arith.constant 80 : i32
        %mul3A_63 = arith.muli %add3A_49, %mul3A_62 : i32
        %add3A_64 = arith.addi %mul3A_11, %mul3A_63 : i32
        %dma_wait3A_65 = tpu.memref_slice %arg4[%add3A_64] : memref<320000xi32, #tpu.memory_space<hbm>> -> memref<80xi32, #tpu.memory_space<hbm>>
        %dma_wait3A_66 = tpu.memref_slice %arg4[%add3A_64] : memref<320000xi32, #tpu.memory_space<hbm>> -> memref<80xi32, #tpu.memory_space<hbm>>
        tpu.wait_dma2 semaphore(%arg18 : memref<!tpu.dma_semaphore, #tpu.memory_space<semaphore_mem>>) src(%dma_wait3A_66 : memref<80xi32, #tpu.memory_space<hbm>>) dst(%arg8 : memref<80xi32, #tpu.memory_space<vmem>>)
        %mul3A_67 = arith.constant 80 : i32
        %mul3A_68 = arith.muli %add3A_49, %mul3A_67 : i32
        %dma_wait3A_69 = tpu.memref_slice %arg6[%mul3A_68] : memref<10000xi32, #tpu.memory_space<vmem>> -> memref<80xi32, #tpu.memory_space<vmem>>
        %dma_wait3A_70 = arith.constant 0 : i32
        %dma_wait3A_71 = arith.constant 0 : i32
        %dma_wait3A_72 = tpu.memref_slice %arg2[%dma_wait3A_70, %dma_wait3A_71] : memref<10000x128xf32, #tpu.memory_space<hbm>> -> memref<10000x128xf32, #tpu.memory_space<hbm>>
        tpu.wait_indirect_dma semaphore(%arg15 : memref<!tpu.dma_semaphore, #tpu.memory_space<semaphore_mem>>) src(%dma_wait3A_72 : memref<10000x128xf32, #tpu.memory_space<hbm>>) dst(%arg11 : memref<80x128xf32, #tpu.memory_space<vmem>>)
        %ge3A = arith.constant 1 : i32
        %ge3A_73 = arith.cmpi sge, %add3A_49, %ge3A : i32
        %convert_element_type3A_74 = arith.extui %ge3A_73 : i1 to i32
        %cond3A_75 = arith.constant 0 : i32
        %cond3A_76 = arith.cmpi ne, %convert_element_type3A_74, %cond3A_75 : i32
        scf.if %cond3A_76 {
          %dma_wait3A_87 = arith.constant 0 : i32
          %dma_wait3A_88 = arith.constant 0 : i32
          %dma_wait3A_89 = tpu.memref_slice %arg13[%dma_wait3A_87, %dma_wait3A_88] : memref<10240x128xf32, #tpu.memory_space<vmem_shared>> -> memref<10240x128xf32, #tpu.memory_space<vmem_shared>>
          tpu.wait_indirect_dma semaphore(%arg20 : memref<!tpu.dma_semaphore, #tpu.memory_space<semaphore_mem>>) src(%arg10 : memref<80x128xf32, #tpu.memory_space<vmem>>) dst(%dma_wait3A_89 : memref<10240x128xf32, #tpu.memory_space<vmem_shared>>)
        } else {
        }
        %add3A_77 = arith.constant 2 : i32
        %add3A_78 = arith.addi %add3A_49, %add3A_77 : i32
        %lt3A_79 = arith.constant 125 : i32
        %lt3A_80 = arith.cmpi slt, %add3A_78, %lt3A_79 : i32
        %convert_element_type3A_81 = arith.extui %lt3A_80 : i1 to i32
        %cond3A_82 = arith.constant 0 : i32
        %cond3A_83 = arith.cmpi ne, %convert_element_type3A_81, %cond3A_82 : i32
        scf.if %cond3A_83 {
          %add3A_87 = arith.constant 2 : i32
          %add3A_88 = arith.addi %add3A_49, %add3A_87 : i32
          %mul3A_89 = arith.constant 80 : i32
          %mul3A_90 = arith.muli %add3A_88, %mul3A_89 : i32
          %add3A_91 = arith.addi %mul3A_11, %mul3A_90 : i32
          %dma_start3A_92 = tpu.memref_slice %arg4[%add3A_91] : memref<320000xi32, #tpu.memory_space<hbm>> -> memref<80xi32, #tpu.memory_space<hbm>>
          %dma_start3A_93 = tpu.memref_slice %arg4[%add3A_91] : memref<320000xi32, #tpu.memory_space<hbm>> -> memref<80xi32, #tpu.memory_space<hbm>>
          tpu.enqueue_dma source(%dma_start3A_93 : memref<80xi32, #tpu.memory_space<hbm>>) target(%arg7 : memref<80xi32, #tpu.memory_space<vmem>>) target_semaphore(%arg17 : memref<!tpu.dma_semaphore, #tpu.memory_space<semaphore_mem>>)
          %mul3A_94 = arith.constant 80 : i32
          %mul3A_95 = arith.muli %add3A_88, %mul3A_94 : i32
          %dma_start3A_96 = tpu.memref_slice %arg6[%mul3A_95] : memref<10000xi32, #tpu.memory_space<vmem>> -> memref<80xi32, #tpu.memory_space<vmem>>
          %dma_start3A_97 = arith.constant 0 : i32
          %dma_start3A_98 = arith.constant 0 : i32
          %dma_start3A_99 = tpu.memref_slice %arg2[%dma_start3A_97, %dma_start3A_98] : memref<10000x128xf32, #tpu.memory_space<hbm>> -> memref<10000x128xf32, #tpu.memory_space<hbm>>
          tpu.enqueue_indirect_dma source(%dma_start3A_99 : memref<10000x128xf32, #tpu.memory_space<hbm>>) target(%arg10 : memref<80x128xf32, #tpu.memory_space<vmem>>) offsets(%dma_start3A_96 : memref<80xi32, #tpu.memory_space<vmem>>) semaphore(%arg14 : memref<!tpu.dma_semaphore, #tpu.memory_space<semaphore_mem>>)
        } else {
        }
        %dma_start3A_84 = arith.constant 0 : i32
        %dma_start3A_85 = arith.constant 0 : i32
        %dma_start3A_86 = tpu.memref_slice %arg13[%dma_start3A_84, %dma_start3A_85] : memref<10240x128xf32, #tpu.memory_space<vmem_shared>> -> memref<10240x128xf32, #tpu.memory_space<vmem_shared>>
        tpu.enqueue_indirect_dma source(%arg11 : memref<80x128xf32, #tpu.memory_space<vmem>>) target(%dma_start3A_86 : memref<10240x128xf32, #tpu.memory_space<vmem_shared>>) offsets(%arg8 : memref<80xi32, #tpu.memory_space<vmem>>) semaphore(%arg21 : memref<!tpu.dma_semaphore, #tpu.memory_space<semaphore_mem>>) {add = true}
      } else {
      }
      %add3A_55 = arith.constant 2 : i32
      %add3A_56 = arith.addi %add3A_43, %add3A_55 : i32
      %lt3A_57 = arith.constant 125 : i32
      %lt3A_58 = arith.cmpi slt, %add3A_56, %lt3A_57 : i32
      %convert_element_type3A_59 = arith.extui %lt3A_58 : i1 to i32
      %cond3A_60 = arith.constant 0 : i32
      %cond3A_61 = arith.cmpi ne, %convert_element_type3A_59, %cond3A_60 : i32
      scf.if %cond3A_61 {
        %mul3A_62 = arith.constant 80 : i32
        %mul3A_63 = arith.muli %add3A_56, %mul3A_62 : i32
        %add3A_64 = arith.addi %mul3A_11, %mul3A_63 : i32
        %dma_wait3A_65 = tpu.memref_slice %arg4[%add3A_64] : memref<320000xi32, #tpu.memory_space<hbm>> -> memref<80xi32, #tpu.memory_space<hbm>>
        %dma_wait3A_66 = tpu.memref_slice %arg4[%add3A_64] : memref<320000xi32, #tpu.memory_space<hbm>> -> memref<80xi32, #tpu.memory_space<hbm>>
        tpu.wait_dma2 semaphore(%arg19 : memref<!tpu.dma_semaphore, #tpu.memory_space<semaphore_mem>>) src(%dma_wait3A_66 : memref<80xi32, #tpu.memory_space<hbm>>) dst(%arg9 : memref<80xi32, #tpu.memory_space<vmem>>)
        %mul3A_67 = arith.constant 80 : i32
        %mul3A_68 = arith.muli %add3A_56, %mul3A_67 : i32
        %dma_wait3A_69 = tpu.memref_slice %arg6[%mul3A_68] : memref<10000xi32, #tpu.memory_space<vmem>> -> memref<80xi32, #tpu.memory_space<vmem>>
        %dma_wait3A_70 = arith.constant 0 : i32
        %dma_wait3A_71 = arith.constant 0 : i32
        %dma_wait3A_72 = tpu.memref_slice %arg2[%dma_wait3A_70, %dma_wait3A_71] : memref<10000x128xf32, #tpu.memory_space<hbm>> -> memref<10000x128xf32, #tpu.memory_space<hbm>>
        tpu.wait_indirect_dma semaphore(%arg16 : memref<!tpu.dma_semaphore, #tpu.memory_space<semaphore_mem>>) src(%dma_wait3A_72 : memref<10000x128xf32, #tpu.memory_space<hbm>>) dst(%arg12 : memref<80x128xf32, #tpu.memory_space<vmem>>)
        %ge3A = arith.constant 1 : i32
        %ge3A_73 = arith.cmpi sge, %add3A_56, %ge3A : i32
        %convert_element_type3A_74 = arith.extui %ge3A_73 : i1 to i32
        %cond3A_75 = arith.constant 0 : i32
        %cond3A_76 = arith.cmpi ne, %convert_element_type3A_74, %cond3A_75 : i32
        scf.if %cond3A_76 {
          %dma_wait3A_87 = arith.constant 0 : i32
          %dma_wait3A_88 = arith.constant 0 : i32
          %dma_wait3A_89 = tpu.memref_slice %arg13[%dma_wait3A_87, %dma_wait3A_88] : memref<10240x128xf32, #tpu.memory_space<vmem_shared>> -> memref<10240x128xf32, #tpu.memory_space<vmem_shared>>
          tpu.wait_indirect_dma semaphore(%arg21 : memref<!tpu.dma_semaphore, #tpu.memory_space<semaphore_mem>>) src(%arg11 : memref<80x128xf32, #tpu.memory_space<vmem>>) dst(%dma_wait3A_89 : memref<10240x128xf32, #tpu.memory_space<vmem_shared>>)
        } else {
        }
        %add3A_77 = arith.constant 2 : i32
        %add3A_78 = arith.addi %add3A_56, %add3A_77 : i32
        %lt3A_79 = arith.constant 125 : i32
        %lt3A_80 = arith.cmpi slt, %add3A_78, %lt3A_79 : i32
        %convert_element_type3A_81 = arith.extui %lt3A_80 : i1 to i32
        %cond3A_82 = arith.constant 0 : i32
        %cond3A_83 = arith.cmpi ne, %convert_element_type3A_81, %cond3A_82 : i32
        scf.if %cond3A_83 {
          %add3A_87 = arith.constant 2 : i32
          %add3A_88 = arith.addi %add3A_56, %add3A_87 : i32
          %mul3A_89 = arith.constant 80 : i32
          %mul3A_90 = arith.muli %add3A_88, %mul3A_89 : i32
          %add3A_91 = arith.addi %mul3A_11, %mul3A_90 : i32
          %dma_start3A_92 = tpu.memref_slice %arg4[%add3A_91] : memref<320000xi32, #tpu.memory_space<hbm>> -> memref<80xi32, #tpu.memory_space<hbm>>
          %dma_start3A_93 = tpu.memref_slice %arg4[%add3A_91] : memref<320000xi32, #tpu.memory_space<hbm>> -> memref<80xi32, #tpu.memory_space<hbm>>
          tpu.enqueue_dma source(%dma_start3A_93 : memref<80xi32, #tpu.memory_space<hbm>>) target(%arg8 : memref<80xi32, #tpu.memory_space<vmem>>) target_semaphore(%arg18 : memref<!tpu.dma_semaphore, #tpu.memory_space<semaphore_mem>>)
          %mul3A_94 = arith.constant 80 : i32
          %mul3A_95 = arith.muli %add3A_88, %mul3A_94 : i32
          %dma_start3A_96 = tpu.memref_slice %arg6[%mul3A_95] : memref<10000xi32, #tpu.memory_space<vmem>> -> memref<80xi32, #tpu.memory_space<vmem>>
          %dma_start3A_97 = arith.constant 0 : i32
          %dma_start3A_98 = arith.constant 0 : i32
          %dma_start3A_99 = tpu.memref_slice %arg2[%dma_start3A_97, %dma_start3A_98] : memref<10000x128xf32, #tpu.memory_space<hbm>> -> memref<10000x128xf32, #tpu.memory_space<hbm>>
          tpu.enqueue_indirect_dma source(%dma_start3A_99 : memref<10000x128xf32, #tpu.memory_space<hbm>>) target(%arg11 : memref<80x128xf32, #tpu.memory_space<vmem>>) offsets(%dma_start3A_96 : memref<80xi32, #tpu.memory_space<vmem>>) semaphore(%arg15 : memref<!tpu.dma_semaphore, #tpu.memory_space<semaphore_mem>>)
        } else {
        }
        %dma_start3A_84 = arith.constant 0 : i32
        %dma_start3A_85 = arith.constant 0 : i32
        %dma_start3A_86 = tpu.memref_slice %arg13[%dma_start3A_84, %dma_start3A_85] : memref<10240x128xf32, #tpu.memory_space<vmem_shared>> -> memref<10240x128xf32, #tpu.memory_space<vmem_shared>>
        tpu.enqueue_indirect_dma source(%arg12 : memref<80x128xf32, #tpu.memory_space<vmem>>) target(%dma_start3A_86 : memref<10240x128xf32, #tpu.memory_space<vmem_shared>>) offsets(%arg9 : memref<80xi32, #tpu.memory_space<vmem>>) semaphore(%arg22 : memref<!tpu.dma_semaphore, #tpu.memory_space<semaphore_mem>>) {add = true}
      } else {
      }
    }
    %scan3A_33 = arith.constant 42 : i32
    %dma_wait3A = arith.constant 0 : i32
    %dma_wait3A_34 = arith.constant 0 : i32
    %dma_wait3A_35 = tpu.memref_slice %arg13[%dma_wait3A, %dma_wait3A_34] : memref<10240x128xf32, #tpu.memory_space<vmem_shared>> -> memref<10240x128xf32, #tpu.memory_space<vmem_shared>>
    tpu.wait_indirect_dma semaphore(%arg21 : memref<!tpu.dma_semaphore, #tpu.memory_space<semaphore_mem>>) src(%arg11 : memref<80x128xf32, #tpu.memory_space<vmem>>) dst(%dma_wait3A_35 : memref<10240x128xf32, #tpu.memory_space<vmem_shared>>)
    %barrier3A_36 = arith.constant 0 : index
    tpu.barrier barrier_id(%barrier3A_36)
    %mul3A_37 = arith.constant 640 : i32
    %mul3A_38 = arith.muli %arg1, %mul3A_37 : i32
    "tpu.region"() ({
      %run_scoped3A = tpu.sem_alloc : memref<!tpu.dma_semaphore, #tpu.memory_space<semaphore_mem>>
      %dma_start3A_39 = arith.constant 0 : i32
      %dma_start3A_40 = tpu.memref_slice %arg5[%arg0, %mul3A_38, %dma_start3A_39] : memref<2x10240x128xf32, #tpu.memory_space<hbm>> -> memref<1x640x128xf32, #tpu.memory_space<hbm>>
      %dma_start3A_41 = tpu.memref_squeeze %dma_start3A_40 : memref<1x640x128xf32, #tpu.memory_space<hbm>> -> memref<640x128xf32, #tpu.memory_space<hbm>>
      %dma_start3A_42 = arith.constant 0 : i32
      %dma_start3A_43 = tpu.memref_slice %arg13[%mul3A_38, %dma_start3A_42] : memref<10240x128xf32, #tpu.memory_space<vmem_shared>> -> memref<640x128xf32, #tpu.memory_space<vmem_shared>>
      tpu.enqueue_dma source(%dma_start3A_43 : memref<640x128xf32, #tpu.memory_space<vmem_shared>>) target(%dma_start3A_41 : memref<640x128xf32, #tpu.memory_space<hbm>>) target_semaphore(%run_scoped3A : memref<!tpu.dma_semaphore, #tpu.memory_space<semaphore_mem>>)
      %dma_wait3A_44 = arith.constant 0 : i32
      %dma_wait3A_45 = tpu.memref_slice %arg5[%arg0, %mul3A_38, %dma_wait3A_44] : memref<2x10240x128xf32, #tpu.memory_space<hbm>> -> memref<1x640x128xf32, #tpu.memory_space<hbm>>
      %dma_wait3A_46 = tpu.memref_squeeze %dma_wait3A_45 : memref<1x640x128xf32, #tpu.memory_space<hbm>> -> memref<640x128xf32, #tpu.memory_space<hbm>>
      %dma_wait3A_47 = arith.constant 0 : i32
      %dma_wait3A_48 = tpu.memref_slice %arg13[%mul3A_38, %dma_wait3A_47] : memref<10240x128xf32, #tpu.memory_space<vmem_shared>> -> memref<640x128xf32, #tpu.memory_space<vmem_shared>>
      tpu.wait_dma2 semaphore(%run_scoped3A : memref<!tpu.dma_semaphore, #tpu.memory_space<semaphore_mem>>) src(%dma_wait3A_48 : memref<640x128xf32, #tpu.memory_space<vmem_shared>>) dst(%dma_wait3A_46 : memref<640x128xf32, #tpu.memory_space<hbm>>)
      tpu.yield
    }) : () -> ()
    return
  }
}

#map = affine_map<(d0, d1) -> (0, 0, 0)>
module attributes {stable_mosaic.version = 14 : i64} {
  func.func @_deg_kernel(%arg0: i32, %arg1: i32, %arg2: memref<32x125x80xi32, #tpu.memory_space<hbm>>, %arg3: memref<2x10240x128xf32, #tpu.memory_space<hbm>>, %arg4: memref<125x80xi32, #tpu.memory_space<vmem>>, %arg5: memref<80x128xf32, #tpu.memory_space<vmem>>, %arg6: memref<8x128xf32, #tpu.memory_space<vmem>>, %arg7: memref<10240x128xf32, #tpu.memory_space<vmem_shared>>, %arg8: memref<!tpu.dma_semaphore, #tpu.memory_space<semaphore_mem>>, %arg9: memref<!tpu.dma_semaphore, #tpu.memory_space<semaphore_mem>>, %arg10: memref<!tpu.dma_semaphore, #tpu.memory_space<semaphore_mem>>, %arg11: memref<!tpu.dma_semaphore, #tpu.memory_space<semaphore_mem>>) attributes {dimension_semantics = [#tpu.dimension_semantics<core_parallel>, #tpu.dimension_semantics<subcore_parallel>], iteration_bounds = array<i64: 2, 16>, scalar_prefetch = 0 : i64, scratch_operands = 8 : i64, tpu.core_type = #tpu.core_type<sc_vector_subcore>, window_params = [{transform_indices = #map}, {transform_indices = #map}]} {
    %mul3A = arith.constant 2 : i32
    %mul3A_0 = arith.muli %arg1, %mul3A : i32
    %add3A = arith.addi %mul3A_0, %arg0 : i32
    %scan3A = arith.constant 0 : i32
    %scan3A_1 = arith.constant 640 : i32
    %scan3A_2 = arith.addi %scan3A, %scan3A_1 : i32
    %scan3A_3 = arith.constant 1 : i32
    scf.for %scan3A_50 = %scan3A to %scan3A_2 step %scan3A_3  : i32 {
      %mul3A_51 = arith.constant 1 : i32
      %mul3A_52 = arith.muli %scan3A_50, %mul3A_51 : i32
      %add3A_53 = arith.constant 0 : i32
      %add3A_54 = arith.addi %add3A_53, %mul3A_52 : i32
      %jit3A = arith.constant 8 : i32
      %div3A = arith.divsi %add3A_54, %jit3A : i32
      %sign3A = arith.constant 0 : i32
      %sign3A_55 = arith.cmpi sgt, %add3A_54, %sign3A : i32
      %sign3A_56 = arith.extui %sign3A_55 : i1 to i32
      %sign3A_57 = arith.constant 0 : i32
      %sign3A_58 = arith.cmpi slt, %add3A_54, %sign3A_57 : i32
      %sign3A_59 = arith.extui %sign3A_58 : i1 to i32
      %sign3A_60 = arith.subi %sign3A_56, %sign3A_59 : i32
      %sign3A_61 = arith.constant 0 : i32
      %sign3A_62 = arith.cmpi sgt, %jit3A, %sign3A_61 : i32
      %sign3A_63 = arith.extui %sign3A_62 : i1 to i32
      %sign3A_64 = arith.constant 0 : i32
      %sign3A_65 = arith.cmpi slt, %jit3A, %sign3A_64 : i32
      %sign3A_66 = arith.extui %sign3A_65 : i1 to i32
      %sign3A_67 = arith.subi %sign3A_63, %sign3A_66 : i32
      %ne3A = arith.cmpi ne, %sign3A_60, %sign3A_67 : i32
      %rem3A = arith.remsi %add3A_54, %jit3A : i32
      %ne3A_68 = arith.constant 0 : i32
      %ne3A_69 = arith.cmpi ne, %rem3A, %ne3A_68 : i32
      %and3A = arith.andi %ne3A, %ne3A_69 : i1
      %sub3A = arith.constant 1 : i32
      %sub3A_70 = arith.subi %div3A, %sub3A : i32
      %select_n3A = arith.select %and3A, %sub3A_70, %div3A : i32
      %jit3A_71 = arith.constant 8 : i32
      %eq3A = arith.constant 0 : i32
      %eq3A_72 = arith.cmpi eq, %jit3A_71, %eq3A : i32
      %jit3A_73 = arith.constant 1 : i32
      %select_n3A_74 = arith.select %eq3A_72, %jit3A_73, %jit3A_71 : i32
      %rem3A_75 = arith.remsi %add3A_54, %select_n3A_74 : i32
      %ne3A_76 = arith.constant 0 : i32
      %ne3A_77 = arith.cmpi ne, %rem3A_75, %ne3A_76 : i32
      %lt3A = arith.constant 0 : i32
      %lt3A_78 = arith.cmpi slt, %rem3A_75, %lt3A : i32
      %lt3A_79 = arith.constant 0 : i32
      %lt3A_80 = arith.cmpi slt, %select_n3A_74, %lt3A_79 : i32
      %ne3A_81 = arith.xori %lt3A_78, %lt3A_80 : i1
      %and3A_82 = arith.andi %ne3A_81, %ne3A_77 : i1
      %add3A_83 = arith.addi %rem3A_75, %select_n3A_74 : i32
      %select_n3A_84 = arith.select %and3A_82, %add3A_83, %rem3A_75 : i32
      %mul3A_85 = arith.constant 16 : i32
      %mul3A_86 = arith.muli %select_n3A_84, %mul3A_85 : i32
      %broadcast_in_dim3A = arith.constant 1.000000e+00 : f32
      %broadcast_in_dim3A_87 = vector.broadcast %broadcast_in_dim3A : f32 to vector<16xf32>
      %swap3A = arith.index_cast %select_n3A : i32 to index
      %swap3A_88 = arith.index_cast %mul3A_86 : i32 to index
      %swap3A_89 = tpu.vector_load %arg5[%swap3A, %swap3A_88] {strides = array<i32>} : memref<80x128xf32, #tpu.memory_space<vmem>>, vector<1x16xf32>,
      %swap3A_90 = vector.shape_cast %swap3A_89 : vector<1x16xf32> to vector<16xf32>
      %swap3A_91 = vector.shape_cast %broadcast_in_dim3A_87 : vector<16xf32> to vector<1x16xf32>
      tpu.vector_store %arg5[%swap3A, %swap3A_88], %swap3A_91 {strides = array<i32>} : memref<80x128xf32, #tpu.memory_space<vmem>>, vector<1x16xf32>,
    }
    %scan3A_4 = arith.constant 640 : i32
    %scan3A_5 = arith.constant 0 : i32
    %scan3A_6 = arith.constant 64 : i32
    %scan3A_7 = arith.addi %scan3A_5, %scan3A_6 : i32
    %scan3A_8 = arith.constant 1 : i32
    scf.for %scan3A_50 = %scan3A_5 to %scan3A_7 step %scan3A_8  : i32 {
      %mul3A_51 = arith.constant 1 : i32
      %mul3A_52 = arith.muli %scan3A_50, %mul3A_51 : i32
      %add3A_53 = arith.constant 0 : i32
      %add3A_54 = arith.addi %add3A_53, %mul3A_52 : i32
      %jit3A = arith.constant 8 : i32
      %div3A = arith.divsi %add3A_54, %jit3A : i32
      %sign3A = arith.constant 0 : i32
      %sign3A_55 = arith.cmpi sgt, %add3A_54, %sign3A : i32
      %sign3A_56 = arith.extui %sign3A_55 : i1 to i32
      %sign3A_57 = arith.constant 0 : i32
      %sign3A_58 = arith.cmpi slt, %add3A_54, %sign3A_57 : i32
      %sign3A_59 = arith.extui %sign3A_58 : i1 to i32
      %sign3A_60 = arith.subi %sign3A_56, %sign3A_59 : i32
      %sign3A_61 = arith.constant 0 : i32
      %sign3A_62 = arith.cmpi sgt, %jit3A, %sign3A_61 : i32
      %sign3A_63 = arith.extui %sign3A_62 : i1 to i32
      %sign3A_64 = arith.constant 0 : i32
      %sign3A_65 = arith.cmpi slt, %jit3A, %sign3A_64 : i32
      %sign3A_66 = arith.extui %sign3A_65 : i1 to i32
      %sign3A_67 = arith.subi %sign3A_63, %sign3A_66 : i32
      %ne3A = arith.cmpi ne, %sign3A_60, %sign3A_67 : i32
      %rem3A = arith.remsi %add3A_54, %jit3A : i32
      %ne3A_68 = arith.constant 0 : i32
      %ne3A_69 = arith.cmpi ne, %rem3A, %ne3A_68 : i32
      %and3A = arith.andi %ne3A, %ne3A_69 : i1
      %sub3A = arith.constant 1 : i32
      %sub3A_70 = arith.subi %div3A, %sub3A : i32
      %select_n3A = arith.select %and3A, %sub3A_70, %div3A : i32
      %jit3A_71 = arith.constant 8 : i32
      %eq3A = arith.constant 0 : i32
      %eq3A_72 = arith.cmpi eq, %jit3A_71, %eq3A : i32
      %jit3A_73 = arith.constant 1 : i32
      %select_n3A_74 = arith.select %eq3A_72, %jit3A_73, %jit3A_71 : i32
      %rem3A_75 = arith.remsi %add3A_54, %select_n3A_74 : i32
      %ne3A_76 = arith.constant 0 : i32
      %ne3A_77 = arith.cmpi ne, %rem3A_75, %ne3A_76 : i32
      %lt3A = arith.constant 0 : i32
      %lt3A_78 = arith.cmpi slt, %rem3A_75, %lt3A : i32
      %lt3A_79 = arith.constant 0 : i32
      %lt3A_80 = arith.cmpi slt, %select_n3A_74, %lt3A_79 : i32
      %ne3A_81 = arith.xori %lt3A_78, %lt3A_80 : i1
      %and3A_82 = arith.andi %ne3A_81, %ne3A_77 : i1
      %add3A_83 = arith.addi %rem3A_75, %select_n3A_74 : i32
      %select_n3A_84 = arith.select %and3A_82, %add3A_83, %rem3A_75 : i32
      %mul3A_85 = arith.constant 16 : i32
      %mul3A_86 = arith.muli %select_n3A_84, %mul3A_85 : i32
      %broadcast_in_dim3A = arith.constant 0.000000e+00 : f32
      %broadcast_in_dim3A_87 = vector.broadcast %broadcast_in_dim3A : f32 to vector<16xf32>
      %swap3A = arith.index_cast %select_n3A : i32 to index
      %swap3A_88 = arith.index_cast %mul3A_86 : i32 to index
      %swap3A_89 = tpu.vector_load %arg6[%swap3A, %swap3A_88] {strides = array<i32>} : memref<8x128xf32, #tpu.memory_space<vmem>>, vector<1x16xf32>,
      %swap3A_90 = vector.shape_cast %swap3A_89 : vector<1x16xf32> to vector<16xf32>
      %swap3A_91 = vector.shape_cast %broadcast_in_dim3A_87 : vector<16xf32> to vector<1x16xf32>
      tpu.vector_store %arg6[%swap3A, %swap3A_88], %swap3A_91 {strides = array<i32>} : memref<8x128xf32, #tpu.memory_space<vmem>>, vector<1x16xf32>,
    }
    %scan3A_9 = arith.constant 64 : i32
    %scan3A_10 = arith.constant 0 : i32
    %scan3A_11 = arith.constant 80 : i32
    %scan3A_12 = arith.addi %scan3A_10, %scan3A_11 : i32
    %scan3A_13 = arith.constant 1 : i32
    scf.for %scan3A_50 = %scan3A_10 to %scan3A_12 step %scan3A_13  : i32 {
      %mul3A_51 = arith.constant 1 : i32
      %mul3A_52 = arith.muli %scan3A_50, %mul3A_51 : i32
      %add3A_53 = arith.constant 0 : i32
      %add3A_54 = arith.addi %add3A_53, %mul3A_52 : i32
      %mul3A_55 = arith.constant 640 : i32
      %mul3A_56 = arith.muli %arg1, %mul3A_55 : i32
      %mul3A_57 = arith.constant 8 : i32
      %mul3A_58 = arith.muli %add3A_54, %mul3A_57 : i32
      %add3A_59 = arith.addi %mul3A_56, %mul3A_58 : i32
      "tpu.region"() ({
        %run_scoped3A = tpu.sem_alloc : memref<!tpu.dma_semaphore, #tpu.memory_space<semaphore_mem>>
        %dma_start3A_60 = arith.constant 0 : i32
        %dma_start3A_61 = tpu.memref_slice %arg7[%add3A_59, %dma_start3A_60] : memref<10240x128xf32, #tpu.memory_space<vmem_shared>> -> memref<8x128xf32, #tpu.memory_space<vmem_shared>>
        %dma_start3A_62 = arith.constant 0 : i32
        %dma_start3A_63 = tpu.memref_slice %arg7[%add3A_59, %dma_start3A_62] : memref<10240x128xf32, #tpu.memory_space<vmem_shared>> -> memref<8x128xf32, #tpu.memory_space<vmem_shared>>
        tpu.enqueue_dma source(%arg6 : memref<8x128xf32, #tpu.memory_space<vmem>>) target(%dma_start3A_63 : memref<8x128xf32, #tpu.memory_space<vmem_shared>>) target_semaphore(%run_scoped3A : memref<!tpu.dma_semaphore, #tpu.memory_space<semaphore_mem>>)
        %dma_wait3A = arith.constant 0 : i32
        %dma_wait3A_64 = tpu.memref_slice %arg7[%add3A_59, %dma_wait3A] : memref<10240x128xf32, #tpu.memory_space<vmem_shared>> -> memref<8x128xf32, #tpu.memory_space<vmem_shared>>
        %dma_wait3A_65 = arith.constant 0 : i32
        %dma_wait3A_66 = tpu.memref_slice %arg7[%add3A_59, %dma_wait3A_65] : memref<10240x128xf32, #tpu.memory_space<vmem_shared>> -> memref<8x128xf32, #tpu.memory_space<vmem_shared>>
        tpu.wait_dma2 semaphore(%run_scoped3A : memref<!tpu.dma_semaphore, #tpu.memory_space<semaphore_mem>>) src(%arg6 : memref<8x128xf32, #tpu.memory_space<vmem>>) dst(%dma_wait3A_66 : memref<8x128xf32, #tpu.memory_space<vmem_shared>>)
        tpu.yield
      }) : () -> ()
    }
    %scan3A_14 = arith.constant 80 : i32
    "tpu.region"() ({
      %run_scoped3A = tpu.sem_alloc : memref<!tpu.dma_semaphore, #tpu.memory_space<semaphore_mem>>
      %dma_start3A_50 = arith.constant 0 : i32
      %dma_start3A_51 = arith.constant 0 : i32
      %dma_start3A_52 = tpu.memref_slice %arg2[%add3A, %dma_start3A_50, %dma_start3A_51] : memref<32x125x80xi32, #tpu.memory_space<hbm>> -> memref<1x125x80xi32, #tpu.memory_space<hbm>>
      %dma_start3A_53 = tpu.memref_squeeze %dma_start3A_52 : memref<1x125x80xi32, #tpu.memory_space<hbm>> -> memref<125x80xi32, #tpu.memory_space<hbm>>
      %dma_start3A_54 = arith.constant 0 : i32
      %dma_start3A_55 = arith.constant 0 : i32
      %dma_start3A_56 = tpu.memref_slice %arg2[%add3A, %dma_start3A_54, %dma_start3A_55] : memref<32x125x80xi32, #tpu.memory_space<hbm>> -> memref<1x125x80xi32, #tpu.memory_space<hbm>>
      %dma_start3A_57 = tpu.memref_squeeze %dma_start3A_56 : memref<1x125x80xi32, #tpu.memory_space<hbm>> -> memref<125x80xi32, #tpu.memory_space<hbm>>
      tpu.enqueue_dma source(%dma_start3A_57 : memref<125x80xi32, #tpu.memory_space<hbm>>) target(%arg4 : memref<125x80xi32, #tpu.memory_space<vmem>>) target_semaphore(%run_scoped3A : memref<!tpu.dma_semaphore, #tpu.memory_space<semaphore_mem>>)
      %dma_wait3A = arith.constant 0 : i32
      %dma_wait3A_58 = arith.constant 0 : i32
      %dma_wait3A_59 = tpu.memref_slice %arg2[%add3A, %dma_wait3A, %dma_wait3A_58] : memref<32x125x80xi32, #tpu.memory_space<hbm>> -> memref<1x125x80xi32, #tpu.memory_space<hbm>>
      %dma_wait3A_60 = tpu.memref_squeeze %dma_wait3A_59 : memref<1x125x80xi32, #tpu.memory_space<hbm>> -> memref<125x80xi32, #tpu.memory_space<hbm>>
      %dma_wait3A_61 = arith.constant 0 : i32
      %dma_wait3A_62 = arith.constant 0 : i32
      %dma_wait3A_63 = tpu.memref_slice %arg2[%add3A, %dma_wait3A_61, %dma_wait3A_62] : memref<32x125x80xi32, #tpu.memory_space<hbm>> -> memref<1x125x80xi32, #tpu.memory_space<hbm>>
      %dma_wait3A_64 = tpu.memref_squeeze %dma_wait3A_63 : memref<1x125x80xi32, #tpu.memory_space<hbm>> -> memref<125x80xi32, #tpu.memory_space<hbm>>
      tpu.wait_dma2 semaphore(%run_scoped3A : memref<!tpu.dma_semaphore, #tpu.memory_space<semaphore_mem>>) src(%dma_wait3A_64 : memref<125x80xi32, #tpu.memory_space<hbm>>) dst(%arg4 : memref<125x80xi32, #tpu.memory_space<vmem>>)
      tpu.yield
    }) : () -> ()
    %barrier3A = arith.constant 0 : index
    tpu.barrier barrier_id(%barrier3A)
    %dma_start3A = arith.constant 0 : i32
    %dma_start3A_15 = arith.constant 0 : i32
    %dma_start3A_16 = tpu.memref_slice %arg4[%dma_start3A, %dma_start3A_15] : memref<125x80xi32, #tpu.memory_space<vmem>> -> memref<1x80xi32, #tpu.memory_space<vmem>>
    %dma_start3A_17 = tpu.memref_squeeze %dma_start3A_16 : memref<1x80xi32, #tpu.memory_space<vmem>> -> memref<80xi32, #tpu.memory_space<vmem>>
    %dma_start3A_18 = arith.constant 0 : i32
    %dma_start3A_19 = arith.constant 0 : i32
    %dma_start3A_20 = tpu.memref_slice %arg7[%dma_start3A_18, %dma_start3A_19] : memref<10240x128xf32, #tpu.memory_space<vmem_shared>> -> memref<10240x128xf32, #tpu.memory_space<vmem_shared>>
    tpu.enqueue_indirect_dma source(%arg5 : memref<80x128xf32, #tpu.memory_space<vmem>>) target(%dma_start3A_20 : memref<10240x128xf32, #tpu.memory_space<vmem_shared>>) offsets(%dma_start3A_17 : memref<80xi32, #tpu.memory_space<vmem>>) semaphore(%arg8 : memref<!tpu.dma_semaphore, #tpu.memory_space<semaphore_mem>>) {add = true}
    %dma_start3A_21 = arith.constant 1 : i32
    %dma_start3A_22 = arith.constant 0 : i32
    %dma_start3A_23 = tpu.memref_slice %arg4[%dma_start3A_21, %dma_start3A_22] : memref<125x80xi32, #tpu.memory_space<vmem>> -> memref<1x80xi32, #tpu.memory_space<vmem>>
    %dma_start3A_24 = tpu.memref_squeeze %dma_start3A_23 : memref<1x80xi32, #tpu.memory_space<vmem>> -> memref<80xi32, #tpu.memory_space<vmem>>
    %dma_start3A_25 = arith.constant 0 : i32
    %dma_start3A_26 = arith.constant 0 : i32
    %dma_start3A_27 = tpu.memref_slice %arg7[%dma_start3A_25, %dma_start3A_26] : memref<10240x128xf32, #tpu.memory_space<vmem_shared>> -> memref<10240x128xf32, #tpu.memory_space<vmem_shared>>
    tpu.enqueue_indirect_dma source(%arg5 : memref<80x128xf32, #tpu.memory_space<vmem>>) target(%dma_start3A_27 : memref<10240x128xf32, #tpu.memory_space<vmem_shared>>) offsets(%dma_start3A_24 : memref<80xi32, #tpu.memory_space<vmem>>) semaphore(%arg9 : memref<!tpu.dma_semaphore, #tpu.memory_space<semaphore_mem>>) {add = true}
    %dma_start3A_28 = arith.constant 2 : i32
    %dma_start3A_29 = arith.constant 0 : i32
    %dma_start3A_30 = tpu.memref_slice %arg4[%dma_start3A_28, %dma_start3A_29] : memref<125x80xi32, #tpu.memory_space<vmem>> -> memref<1x80xi32, #tpu.memory_space<vmem>>
    %dma_start3A_31 = tpu.memref_squeeze %dma_start3A_30 : memref<1x80xi32, #tpu.memory_space<vmem>> -> memref<80xi32, #tpu.memory_space<vmem>>
    %dma_start3A_32 = arith.constant 0 : i32
    %dma_start3A_33 = arith.constant 0 : i32
    %dma_start3A_34 = tpu.memref_slice %arg7[%dma_start3A_32, %dma_start3A_33] : memref<10240x128xf32, #tpu.memory_space<vmem_shared>> -> memref<10240x128xf32, #tpu.memory_space<vmem_shared>>
    tpu.enqueue_indirect_dma source(%arg5 : memref<80x128xf32, #tpu.memory_space<vmem>>) target(%dma_start3A_34 : memref<10240x128xf32, #tpu.memory_space<vmem_shared>>) offsets(%dma_start3A_31 : memref<80xi32, #tpu.memory_space<vmem>>) semaphore(%arg10 : memref<!tpu.dma_semaphore, #tpu.memory_space<semaphore_mem>>) {add = true}
    %dma_start3A_35 = arith.constant 3 : i32
    %dma_start3A_36 = arith.constant 0 : i32
    %dma_start3A_37 = tpu.memref_slice %arg4[%dma_start3A_35, %dma_start3A_36] : memref<125x80xi32, #tpu.memory_space<vmem>> -> memref<1x80xi32, #tpu.memory_space<vmem>>
    %dma_start3A_38 = tpu.memref_squeeze %dma_start3A_37 : memref<1x80xi32, #tpu.memory_space<vmem>> -> memref<80xi32, #tpu.memory_space<vmem>>
    %dma_start3A_39 = arith.constant 0 : i32
    %dma_start3A_40 = arith.constant 0 : i32
    %dma_start3A_41 = tpu.memref_slice %arg7[%dma_start3A_39, %dma_start3A_40] : memref<10240x128xf32, #tpu.memory_space<vmem_shared>> -> memref<10240x128xf32, #tpu.memory_space<vmem_shared>>
    tpu.enqueue_indirect_dma source(%arg5 : memref<80x128xf32, #tpu.memory_space<vmem>>) target(%dma_start3A_41 : memref<10240x128xf32, #tpu.memory_space<vmem_shared>>) offsets(%dma_start3A_38 : memref<80xi32, #tpu.memory_space<vmem>>) semaphore(%arg11 : memref<!tpu.dma_semaphore, #tpu.memory_space<semaphore_mem>>) {add = true}
    %scan3A_42 = arith.constant 0 : i32
    %scan3A_43 = arith.constant 32 : i32
    %scan3A_44 = arith.addi %scan3A_42, %scan3A_43 : i32
    %scan3A_45 = arith.constant 1 : i32
    scf.for %scan3A_50 = %scan3A_42 to %scan3A_44 step %scan3A_45  : i32 {
      %mul3A_51 = arith.constant 4 : i32
      %mul3A_52 = arith.muli %scan3A_50, %mul3A_51 : i32
      %add3A_53 = arith.constant 0 : i32
      %add3A_54 = arith.addi %add3A_53, %mul3A_52 : i32
      %add3A_55 = arith.constant 0 : i32
      %add3A_56 = arith.addi %add3A_54, %add3A_55 : i32
      %lt3A = arith.constant 125 : i32
      %lt3A_57 = arith.cmpi slt, %add3A_56, %lt3A : i32
      %convert_element_type3A = arith.extui %lt3A_57 : i1 to i32
      %cond3A = arith.constant 0 : i32
      %cond3A_58 = arith.cmpi ne, %convert_element_type3A, %cond3A : i32
      scf.if %cond3A_58 {
        %dma_wait3A = arith.constant 0 : i32
        %dma_wait3A_80 = tpu.memref_slice %arg4[%add3A_56, %dma_wait3A] : memref<125x80xi32, #tpu.memory_space<vmem>> -> memref<1x80xi32, #tpu.memory_space<vmem>>
        %dma_wait3A_81 = tpu.memref_squeeze %dma_wait3A_80 : memref<1x80xi32, #tpu.memory_space<vmem>> -> memref<80xi32, #tpu.memory_space<vmem>>
        %dma_wait3A_82 = arith.constant 0 : i32
        %dma_wait3A_83 = arith.constant 0 : i32
        %dma_wait3A_84 = tpu.memref_slice %arg7[%dma_wait3A_82, %dma_wait3A_83] : memref<10240x128xf32, #tpu.memory_space<vmem_shared>> -> memref<10240x128xf32, #tpu.memory_space<vmem_shared>>
        tpu.wait_indirect_dma semaphore(%arg8 : memref<!tpu.dma_semaphore, #tpu.memory_space<semaphore_mem>>) src(%arg5 : memref<80x128xf32, #tpu.memory_space<vmem>>) dst(%dma_wait3A_84 : memref<10240x128xf32, #tpu.memory_space<vmem_shared>>)
        %add3A_85 = arith.constant 4 : i32
        %add3A_86 = arith.addi %add3A_56, %add3A_85 : i32
        %lt3A_87 = arith.constant 125 : i32
        %lt3A_88 = arith.cmpi slt, %add3A_86, %lt3A_87 : i32
        %convert_element_type3A_89 = arith.extui %lt3A_88 : i1 to i32
        %cond3A_90 = arith.constant 0 : i32
        %cond3A_91 = arith.cmpi ne, %convert_element_type3A_89, %cond3A_90 : i32
        scf.if %cond3A_91 {
          %add3A_92 = arith.constant 4 : i32
          %add3A_93 = arith.addi %add3A_56, %add3A_92 : i32
          %dma_start3A_94 = arith.constant 0 : i32
          %dma_start3A_95 = tpu.memref_slice %arg4[%add3A_93, %dma_start3A_94] : memref<125x80xi32, #tpu.memory_space<vmem>> -> memref<1x80xi32, #tpu.memory_space<vmem>>
          %dma_start3A_96 = tpu.memref_squeeze %dma_start3A_95 : memref<1x80xi32, #tpu.memory_space<vmem>> -> memref<80xi32, #tpu.memory_space<vmem>>
          %dma_start3A_97 = arith.constant 0 : i32
          %dma_start3A_98 = arith.constant 0 : i32
          %dma_start3A_99 = tpu.memref_slice %arg7[%dma_start3A_97, %dma_start3A_98] : memref<10240x128xf32, #tpu.memory_space<vmem_shared>> -> memref<10240x128xf32, #tpu.memory_space<vmem_shared>>
          tpu.enqueue_indirect_dma source(%arg5 : memref<80x128xf32, #tpu.memory_space<vmem>>) target(%dma_start3A_99 : memref<10240x128xf32, #tpu.memory_space<vmem_shared>>) offsets(%dma_start3A_96 : memref<80xi32, #tpu.memory_space<vmem>>) semaphore(%arg8 : memref<!tpu.dma_semaphore, #tpu.memory_space<semaphore_mem>>) {add = true}
        } else {
        }
      } else {
      }
      %add3A_59 = arith.constant 1 : i32
      %add3A_60 = arith.addi %add3A_54, %add3A_59 : i32
      %lt3A_61 = arith.constant 125 : i32
      %lt3A_62 = arith.cmpi slt, %add3A_60, %lt3A_61 : i32
      %convert_element_type3A_63 = arith.extui %lt3A_62 : i1 to i32
      %cond3A_64 = arith.constant 0 : i32
      %cond3A_65 = arith.cmpi ne, %convert_element_type3A_63, %cond3A_64 : i32
      scf.if %cond3A_65 {
        %dma_wait3A = arith.constant 0 : i32
        %dma_wait3A_80 = tpu.memref_slice %arg4[%add3A_60, %dma_wait3A] : memref<125x80xi32, #tpu.memory_space<vmem>> -> memref<1x80xi32, #tpu.memory_space<vmem>>
        %dma_wait3A_81 = tpu.memref_squeeze %dma_wait3A_80 : memref<1x80xi32, #tpu.memory_space<vmem>> -> memref<80xi32, #tpu.memory_space<vmem>>
        %dma_wait3A_82 = arith.constant 0 : i32
        %dma_wait3A_83 = arith.constant 0 : i32
        %dma_wait3A_84 = tpu.memref_slice %arg7[%dma_wait3A_82, %dma_wait3A_83] : memref<10240x128xf32, #tpu.memory_space<vmem_shared>> -> memref<10240x128xf32, #tpu.memory_space<vmem_shared>>
        tpu.wait_indirect_dma semaphore(%arg9 : memref<!tpu.dma_semaphore, #tpu.memory_space<semaphore_mem>>) src(%arg5 : memref<80x128xf32, #tpu.memory_space<vmem>>) dst(%dma_wait3A_84 : memref<10240x128xf32, #tpu.memory_space<vmem_shared>>)
        %add3A_85 = arith.constant 4 : i32
        %add3A_86 = arith.addi %add3A_60, %add3A_85 : i32
        %lt3A_87 = arith.constant 125 : i32
        %lt3A_88 = arith.cmpi slt, %add3A_86, %lt3A_87 : i32
        %convert_element_type3A_89 = arith.extui %lt3A_88 : i1 to i32
        %cond3A_90 = arith.constant 0 : i32
        %cond3A_91 = arith.cmpi ne, %convert_element_type3A_89, %cond3A_90 : i32
        scf.if %cond3A_91 {
          %add3A_92 = arith.constant 4 : i32
          %add3A_93 = arith.addi %add3A_60, %add3A_92 : i32
          %dma_start3A_94 = arith.constant 0 : i32
          %dma_start3A_95 = tpu.memref_slice %arg4[%add3A_93, %dma_start3A_94] : memref<125x80xi32, #tpu.memory_space<vmem>> -> memref<1x80xi32, #tpu.memory_space<vmem>>
          %dma_start3A_96 = tpu.memref_squeeze %dma_start3A_95 : memref<1x80xi32, #tpu.memory_space<vmem>> -> memref<80xi32, #tpu.memory_space<vmem>>
          %dma_start3A_97 = arith.constant 0 : i32
          %dma_start3A_98 = arith.constant 0 : i32
          %dma_start3A_99 = tpu.memref_slice %arg7[%dma_start3A_97, %dma_start3A_98] : memref<10240x128xf32, #tpu.memory_space<vmem_shared>> -> memref<10240x128xf32, #tpu.memory_space<vmem_shared>>
          tpu.enqueue_indirect_dma source(%arg5 : memref<80x128xf32, #tpu.memory_space<vmem>>) target(%dma_start3A_99 : memref<10240x128xf32, #tpu.memory_space<vmem_shared>>) offsets(%dma_start3A_96 : memref<80xi32, #tpu.memory_space<vmem>>) semaphore(%arg9 : memref<!tpu.dma_semaphore, #tpu.memory_space<semaphore_mem>>) {add = true}
        } else {
        }
      } else {
      }
      %add3A_66 = arith.constant 2 : i32
      %add3A_67 = arith.addi %add3A_54, %add3A_66 : i32
      %lt3A_68 = arith.constant 125 : i32
      %lt3A_69 = arith.cmpi slt, %add3A_67, %lt3A_68 : i32
      %convert_element_type3A_70 = arith.extui %lt3A_69 : i1 to i32
      %cond3A_71 = arith.constant 0 : i32
      %cond3A_72 = arith.cmpi ne, %convert_element_type3A_70, %cond3A_71 : i32
      scf.if %cond3A_72 {
        %dma_wait3A = arith.constant 0 : i32
        %dma_wait3A_80 = tpu.memref_slice %arg4[%add3A_67, %dma_wait3A] : memref<125x80xi32, #tpu.memory_space<vmem>> -> memref<1x80xi32, #tpu.memory_space<vmem>>
        %dma_wait3A_81 = tpu.memref_squeeze %dma_wait3A_80 : memref<1x80xi32, #tpu.memory_space<vmem>> -> memref<80xi32, #tpu.memory_space<vmem>>
        %dma_wait3A_82 = arith.constant 0 : i32
        %dma_wait3A_83 = arith.constant 0 : i32
        %dma_wait3A_84 = tpu.memref_slice %arg7[%dma_wait3A_82, %dma_wait3A_83] : memref<10240x128xf32, #tpu.memory_space<vmem_shared>> -> memref<10240x128xf32, #tpu.memory_space<vmem_shared>>
        tpu.wait_indirect_dma semaphore(%arg10 : memref<!tpu.dma_semaphore, #tpu.memory_space<semaphore_mem>>) src(%arg5 : memref<80x128xf32, #tpu.memory_space<vmem>>) dst(%dma_wait3A_84 : memref<10240x128xf32, #tpu.memory_space<vmem_shared>>)
        %add3A_85 = arith.constant 4 : i32
        %add3A_86 = arith.addi %add3A_67, %add3A_85 : i32
        %lt3A_87 = arith.constant 125 : i32
        %lt3A_88 = arith.cmpi slt, %add3A_86, %lt3A_87 : i32
        %convert_element_type3A_89 = arith.extui %lt3A_88 : i1 to i32
        %cond3A_90 = arith.constant 0 : i32
        %cond3A_91 = arith.cmpi ne, %convert_element_type3A_89, %cond3A_90 : i32
        scf.if %cond3A_91 {
          %add3A_92 = arith.constant 4 : i32
          %add3A_93 = arith.addi %add3A_67, %add3A_92 : i32
          %dma_start3A_94 = arith.constant 0 : i32
          %dma_start3A_95 = tpu.memref_slice %arg4[%add3A_93, %dma_start3A_94] : memref<125x80xi32, #tpu.memory_space<vmem>> -> memref<1x80xi32, #tpu.memory_space<vmem>>
          %dma_start3A_96 = tpu.memref_squeeze %dma_start3A_95 : memref<1x80xi32, #tpu.memory_space<vmem>> -> memref<80xi32, #tpu.memory_space<vmem>>
          %dma_start3A_97 = arith.constant 0 : i32
          %dma_start3A_98 = arith.constant 0 : i32
          %dma_start3A_99 = tpu.memref_slice %arg7[%dma_start3A_97, %dma_start3A_98] : memref<10240x128xf32, #tpu.memory_space<vmem_shared>> -> memref<10240x128xf32, #tpu.memory_space<vmem_shared>>
          tpu.enqueue_indirect_dma source(%arg5 : memref<80x128xf32, #tpu.memory_space<vmem>>) target(%dma_start3A_99 : memref<10240x128xf32, #tpu.memory_space<vmem_shared>>) offsets(%dma_start3A_96 : memref<80xi32, #tpu.memory_space<vmem>>) semaphore(%arg10 : memref<!tpu.dma_semaphore, #tpu.memory_space<semaphore_mem>>) {add = true}
        } else {
        }
      } else {
      }
      %add3A_73 = arith.constant 3 : i32
      %add3A_74 = arith.addi %add3A_54, %add3A_73 : i32
      %lt3A_75 = arith.constant 125 : i32
      %lt3A_76 = arith.cmpi slt, %add3A_74, %lt3A_75 : i32
      %convert_element_type3A_77 = arith.extui %lt3A_76 : i1 to i32
      %cond3A_78 = arith.constant 0 : i32
      %cond3A_79 = arith.cmpi ne, %convert_element_type3A_77, %cond3A_78 : i32
      scf.if %cond3A_79 {
        %dma_wait3A = arith.constant 0 : i32
        %dma_wait3A_80 = tpu.memref_slice %arg4[%add3A_74, %dma_wait3A] : memref<125x80xi32, #tpu.memory_space<vmem>> -> memref<1x80xi32, #tpu.memory_space<vmem>>
        %dma_wait3A_81 = tpu.memref_squeeze %dma_wait3A_80 : memref<1x80xi32, #tpu.memory_space<vmem>> -> memref<80xi32, #tpu.memory_space<vmem>>
        %dma_wait3A_82 = arith.constant 0 : i32
        %dma_wait3A_83 = arith.constant 0 : i32
        %dma_wait3A_84 = tpu.memref_slice %arg7[%dma_wait3A_82, %dma_wait3A_83] : memref<10240x128xf32, #tpu.memory_space<vmem_shared>> -> memref<10240x128xf32, #tpu.memory_space<vmem_shared>>
        tpu.wait_indirect_dma semaphore(%arg11 : memref<!tpu.dma_semaphore, #tpu.memory_space<semaphore_mem>>) src(%arg5 : memref<80x128xf32, #tpu.memory_space<vmem>>) dst(%dma_wait3A_84 : memref<10240x128xf32, #tpu.memory_space<vmem_shared>>)
        %add3A_85 = arith.constant 4 : i32
        %add3A_86 = arith.addi %add3A_74, %add3A_85 : i32
        %lt3A_87 = arith.constant 125 : i32
        %lt3A_88 = arith.cmpi slt, %add3A_86, %lt3A_87 : i32
        %convert_element_type3A_89 = arith.extui %lt3A_88 : i1 to i32
        %cond3A_90 = arith.constant 0 : i32
        %cond3A_91 = arith.cmpi ne, %convert_element_type3A_89, %cond3A_90 : i32
        scf.if %cond3A_91 {
          %add3A_92 = arith.constant 4 : i32
          %add3A_93 = arith.addi %add3A_74, %add3A_92 : i32
          %dma_start3A_94 = arith.constant 0 : i32
          %dma_start3A_95 = tpu.memref_slice %arg4[%add3A_93, %dma_start3A_94] : memref<125x80xi32, #tpu.memory_space<vmem>> -> memref<1x80xi32, #tpu.memory_space<vmem>>
          %dma_start3A_96 = tpu.memref_squeeze %dma_start3A_95 : memref<1x80xi32, #tpu.memory_space<vmem>> -> memref<80xi32, #tpu.memory_space<vmem>>
          %dma_start3A_97 = arith.constant 0 : i32
          %dma_start3A_98 = arith.constant 0 : i32
          %dma_start3A_99 = tpu.memref_slice %arg7[%dma_start3A_97, %dma_start3A_98] : memref<10240x128xf32, #tpu.memory_space<vmem_shared>> -> memref<10240x128xf32, #tpu.memory_space<vmem_shared>>
          tpu.enqueue_indirect_dma source(%arg5 : memref<80x128xf32, #tpu.memory_space<vmem>>) target(%dma_start3A_99 : memref<10240x128xf32, #tpu.memory_space<vmem_shared>>) offsets(%dma_start3A_96 : memref<80xi32, #tpu.memory_space<vmem>>) semaphore(%arg11 : memref<!tpu.dma_semaphore, #tpu.memory_space<semaphore_mem>>) {add = true}
        } else {
        }
      } else {
      }
    }
    %scan3A_46 = arith.constant 32 : i32
    %barrier3A_47 = arith.constant 0 : index
    tpu.barrier barrier_id(%barrier3A_47)
    %mul3A_48 = arith.constant 640 : i32
    %mul3A_49 = arith.muli %arg1, %mul3A_48 : i32
    "tpu.region"() ({
      %run_scoped3A = tpu.sem_alloc : memref<!tpu.dma_semaphore, #tpu.memory_space<semaphore_mem>>
      %dma_start3A_50 = arith.constant 0 : i32
      %dma_start3A_51 = tpu.memref_slice %arg3[%arg0, %mul3A_49, %dma_start3A_50] : memref<2x10240x128xf32, #tpu.memory_space<hbm>> -> memref<1x640x128xf32, #tpu.memory_space<hbm>>
      %dma_start3A_52 = tpu.memref_squeeze %dma_start3A_51 : memref<1x640x128xf32, #tpu.memory_space<hbm>> -> memref<640x128xf32, #tpu.memory_space<hbm>>
      %dma_start3A_53 = arith.constant 0 : i32
      %dma_start3A_54 = tpu.memref_slice %arg7[%mul3A_49, %dma_start3A_53] : memref<10240x128xf32, #tpu.memory_space<vmem_shared>> -> memref<640x128xf32, #tpu.memory_space<vmem_shared>>
      tpu.enqueue_dma source(%dma_start3A_54 : memref<640x128xf32, #tpu.memory_space<vmem_shared>>) target(%dma_start3A_52 : memref<640x128xf32, #tpu.memory_space<hbm>>) target_semaphore(%run_scoped3A : memref<!tpu.dma_semaphore, #tpu.memory_space<semaphore_mem>>)
      %dma_wait3A = arith.constant 0 : i32
      %dma_wait3A_55 = tpu.memref_slice %arg3[%arg0, %mul3A_49, %dma_wait3A] : memref<2x10240x128xf32, #tpu.memory_space<hbm>> -> memref<1x640x128xf32, #tpu.memory_space<hbm>>
      %dma_wait3A_56 = tpu.memref_squeeze %dma_wait3A_55 : memref<1x640x128xf32, #tpu.memory_space<hbm>> -> memref<640x128xf32, #tpu.memory_space<hbm>>
      %dma_wait3A_57 = arith.constant 0 : i32
      %dma_wait3A_58 = tpu.memref_slice %arg7[%mul3A_49, %dma_wait3A_57] : memref<10240x128xf32, #tpu.memory_space<vmem_shared>> -> memref<640x128xf32, #tpu.memory_space<vmem_shared>>
      tpu.wait_dma2 semaphore(%run_scoped3A : memref<!tpu.dma_semaphore, #tpu.memory_space<semaphore_mem>>) src(%dma_wait3A_58 : memref<640x128xf32, #tpu.memory_space<vmem_shared>>) dst(%dma_wait3A_56 : memref<640x128xf32, #tpu.memory_space<hbm>>)
      tpu.yield
    }) : () -> ()
    return
  }
}

module attributes {stable_mosaic.version = 14 : i64} {
  func.func @_pre1_body(%arg0: i32, %arg1: memref<2x2000x128xf32, #tpu.memory_space<vmem>>, %arg2: memref<2000x128xf32, #tpu.memory_space<vmem>>, %arg3: memref<128x128xf32, #tpu.memory_space<vmem>>, %arg4: memref<1x128xf32, #tpu.memory_space<vmem>>, %arg5: memref<1x128xf32, #tpu.memory_space<vmem>>, %arg6: memref<2000x128xf32, #tpu.memory_space<vmem>>, %arg7: memref<2000x1xf32, #tpu.memory_space<vmem>>) attributes {dimension_semantics = [#tpu.dimension_semantics<arbitrary>], iteration_bounds = array<i64: 5>, scalar_prefetch = 0 : i64, scratch_operands = 0 : i64, tpu.core_type = #tpu.core_type<tc>, window_params = [{transform_indices = @transform_0, window_bounds = array<i64: 2, 2000, 128>}, {transform_indices = @transform_1, window_bounds = array<i64: 2000, 128>}, {pipeline_mode = #tpu.pipeline_mode<synchronous>, transform_indices = @transform_2, window_bounds = array<i64: 128, 128>}, {pipeline_mode = #tpu.pipeline_mode<synchronous>, transform_indices = @transform_3, window_bounds = array<i64: 1, 128>}, {pipeline_mode = #tpu.pipeline_mode<synchronous>, transform_indices = @transform_4, window_bounds = array<i64: 1, 128>}, {transform_indices = @transform_5, window_bounds = array<i64: 2000, 128>}, {transform_indices = @transform_6, window_bounds = array<i64: 2000, 1>}]} {
    %get3A = arith.constant 0 : index
    %get3A_0 = arith.constant 0 : index
    %get3A_1 = arith.constant 0 : index
    %get3A_2 = vector.load %arg1[%get3A, %get3A_0, %get3A_1] : memref<2x2000x128xf32, #tpu.memory_space<vmem>>, vector<1x2000x1xf32>
    %get3A_3 = vector.shape_cast %get3A_2 : vector<1x2000x1xf32> to vector<2000x1xf32>
    %get3A_4 = arith.constant 1 : index
    %get3A_5 = arith.constant 0 : index
    %get3A_6 = arith.constant 0 : index
    %get3A_7 = vector.load %arg1[%get3A_4, %get3A_5, %get3A_6] : memref<2x2000x128xf32, #tpu.memory_space<vmem>>, vector<1x2000x1xf32>
    %get3A_8 = vector.shape_cast %get3A_7 : vector<1x2000x1xf32> to vector<2000x1xf32>
    %add3A = arith.addf %get3A_3, %get3A_8 : vector<2000x1xf32>
    %add3A_9 = arith.constant 1.000000e+00 : f32
    %add3A_10 = vector.broadcast %add3A_9 : f32 to vector<2000x1xf32>
    %add3A_11 = arith.addf %add3A, %add3A_10 : vector<2000x1xf32>
    %rsqrt3A = math.rsqrt %add3A_11 : vector<2000x1xf32>
    %swap3A = arith.constant 0 : index
    %swap3A_12 = arith.constant 0 : index
    %swap3A_13 = vector.load %arg7[%swap3A, %swap3A_12] : memref<2000x1xf32, #tpu.memory_space<vmem>>, vector<2000x1xf32>
    tpu.vector_store %arg7[%swap3A, %swap3A_12], %rsqrt3A {strides = array<i32>} : memref<2000x1xf32, #tpu.memory_space<vmem>>, vector<2000x1xf32>,
    %get3A_14 = arith.constant 0 : index
    %get3A_15 = arith.constant 0 : index
    %get3A_16 = vector.load %arg2[%get3A_14, %get3A_15] : memref<2000x128xf32, #tpu.memory_space<vmem>>, vector<2000x128xf32>
    %get3A_17 = arith.constant 0 : index
    %get3A_18 = arith.constant 0 : index
    %get3A_19 = vector.load %arg3[%get3A_17, %get3A_18] : memref<128x128xf32, #tpu.memory_space<vmem>>, vector<128x128xf32>
    %get3A_20 = arith.constant 0 : index
    %get3A_21 = arith.constant 0 : index
    %get3A_22 = vector.load %arg4[%get3A_20, %get3A_21] : memref<1x128xf32, #tpu.memory_space<vmem>>, vector<1x128xf32>
    %get3A_23 = arith.constant 0 : index
    %get3A_24 = arith.constant 0 : index
    %get3A_25 = vector.load %arg5[%get3A_23, %get3A_24] : memref<1x128xf32, #tpu.memory_space<vmem>>, vector<1x128xf32>
    %reduce_sum3A = arith.constant dense<0.000000e+00> : vector<2000xf32>
    %reduce_sum3A_26 = vector.multi_reduction <add>, %get3A_16, %reduce_sum3A [1] : vector<2000x128xf32> to vector<2000xf32>
    %broadcast_in_dim3A = vector.shape_cast %reduce_sum3A_26 : vector<2000xf32> to vector<2000x1xf32>
    %div3A = arith.constant 1.280000e+02 : f32
    %div3A_27 = vector.broadcast %div3A : f32 to vector<2000x1xf32>
    %div3A_28 = arith.divf %broadcast_in_dim3A, %div3A_27 : vector<2000x1xf32>
    %sub3A = vector.broadcast %div3A_28 : vector<2000x1xf32> to vector<2000x128xf32>
    %sub3A_29 = arith.subf %get3A_16, %sub3A : vector<2000x128xf32>
    %integer_pow3A = arith.mulf %sub3A_29, %sub3A_29 : vector<2000x128xf32>
    %reduce_sum3A_30 = arith.constant dense<0.000000e+00> : vector<2000xf32>
    %reduce_sum3A_31 = vector.multi_reduction <add>, %integer_pow3A, %reduce_sum3A_30 [1] : vector<2000x128xf32> to vector<2000xf32>
    %broadcast_in_dim3A_32 = vector.shape_cast %reduce_sum3A_31 : vector<2000xf32> to vector<2000x1xf32>
    %div3A_33 = arith.constant 1.280000e+02 : f32
    %div3A_34 = vector.broadcast %div3A_33 : f32 to vector<2000x1xf32>
    %div3A_35 = arith.divf %broadcast_in_dim3A_32, %div3A_34 : vector<2000x1xf32>
    %sub3A_36 = vector.broadcast %div3A_28 : vector<2000x1xf32> to vector<2000x128xf32>
    %sub3A_37 = arith.subf %get3A_16, %sub3A_36 : vector<2000x128xf32>
    %add3A_38 = arith.constant 9.99999974E-6 : f32
    %add3A_39 = vector.broadcast %add3A_38 : f32 to vector<2000x1xf32>
    %add3A_40 = arith.addf %div3A_35, %add3A_39 : vector<2000x1xf32>
    %sqrt3A = math.sqrt %add3A_40 : vector<2000x1xf32>
    %div3A_41 = vector.broadcast %sqrt3A : vector<2000x1xf32> to vector<2000x128xf32>
    %div3A_42 = arith.divf %sub3A_37, %div3A_41 : vector<2000x128xf32>
    %mul3A = vector.broadcast %get3A_22 : vector<1x128xf32> to vector<2000x128xf32>
    %mul3A_43 = arith.mulf %div3A_42, %mul3A : vector<2000x128xf32>
    %add3A_44 = vector.broadcast %get3A_25 : vector<1x128xf32> to vector<2000x128xf32>
    %add3A_45 = arith.addf %mul3A_43, %add3A_44 : vector<2000x128xf32>
    %gt3A = arith.constant 0.000000e+00 : f32
    %gt3A_46 = vector.broadcast %gt3A : f32 to vector<2000x128xf32>
    %gt3A_47 = arith.cmpf ogt, %add3A_45, %gt3A_46 : vector<2000x128xf32>
    %mul3A_48 = arith.constant 2.000000e-01 : f32
    %mul3A_49 = vector.broadcast %mul3A_48 : f32 to vector<2000x128xf32>
    %mul3A_50 = arith.mulf %mul3A_49, %add3A_45 : vector<2000x128xf32>
    %select_n3A = arith.select %gt3A_47, %add3A_45, %mul3A_50 : vector<2000x128xi1>, vector<2000x128xf32>
    %dot_general3A = arith.constant dense<0.000000e+00> : vector<2000x128xf32>
    %dot_general3A_51 = tpu.matmul %select_n3A, %get3A_19, %dot_general3A {dimension_numbers = #tpu.dot_dimension_numbers<[1], [0], [0], [1], [0, 0, 1, 1], [], []>, transpose_lhs_hint = false} : vector<2000x128xf32>, vector<128x128xf32>, vector<2000x128xf32> -> vector<2000x128xf32>
    %mul3A_52 = vector.broadcast %rsqrt3A : vector<2000x1xf32> to vector<2000x128xf32>
    %mul3A_53 = arith.mulf %mul3A_52, %dot_general3A_51 : vector<2000x128xf32>
    %swap3A_54 = arith.constant 0 : index
    %swap3A_55 = arith.constant 0 : index
    %swap3A_56 = vector.load %arg6[%swap3A_54, %swap3A_55] : memref<2000x128xf32, #tpu.memory_space<vmem>>, vector<2000x128xf32>
    tpu.vector_store %arg6[%swap3A_54, %swap3A_55], %mul3A_53 {strides = array<i32>} : memref<2000x128xf32, #tpu.memory_space<vmem>>, vector<2000x128xf32>,
    return
  }
  func.func @transform_0(%arg0: i32) -> (i32, i32, i32) {
    %c0_i32 = arith.constant 0 : i32
    %c0_i32_0 = arith.constant 0 : i32
    %c0_i32_1 = arith.constant 0 : i32
    return %c0_i32, %arg0, %c0_i32_0 : i32, i32, i32
  }
  func.func @transform_1(%arg0: i32) -> (i32, i32) {
    %c0_i32 = arith.constant 0 : i32
    %c0_i32_0 = arith.constant 0 : i32
    return %arg0, %c0_i32 : i32, i32
  }
  func.func @transform_2(%arg0: i32) -> (i32, i32) {
    %c0_i32 = arith.constant 0 : i32
    %c0_i32_0 = arith.constant 0 : i32
    %c0_i32_1 = arith.constant 0 : i32
    return %c0_i32, %c0_i32_0 : i32, i32
  }
  func.func @transform_3(%arg0: i32) -> (i32, i32) {
    %c0_i32 = arith.constant 0 : i32
    %c0_i32_0 = arith.constant 0 : i32
    %c0_i32_1 = arith.constant 0 : i32
    return %c0_i32, %c0_i32_0 : i32, i32
  }
  func.func @transform_4(%arg0: i32) -> (i32, i32) {
    %c0_i32 = arith.constant 0 : i32
    %c0_i32_0 = arith.constant 0 : i32
    %c0_i32_1 = arith.constant 0 : i32
    return %c0_i32, %c0_i32_0 : i32, i32
  }
  func.func @transform_5(%arg0: i32) -> (i32, i32) {
    %c0_i32 = arith.constant 0 : i32
    %c0_i32_0 = arith.constant 0 : i32
    return %arg0, %c0_i32 : i32, i32
  }
  func.func @transform_6(%arg0: i32) -> (i32, i32) {
    %c0_i32 = arith.constant 0 : i32
    %c0_i32_0 = arith.constant 0 : i32
    return %arg0, %c0_i32 : i32, i32
  }
}

module attributes {stable_mosaic.version = 14 : i64} {
  func.func @_mid_body(%arg0: i32, %arg1: memref<2x2000x128xf32, #tpu.memory_space<vmem>>, %arg2: memref<2000x128xf32, #tpu.memory_space<vmem>>, %arg3: memref<2000x1xf32, #tpu.memory_space<vmem>>, %arg4: memref<2000x128xf32, #tpu.memory_space<vmem>>, %arg5: memref<1x128xf32, #tpu.memory_space<vmem>>, %arg6: memref<1x1xf32, #tpu.memory_space<vmem>>, %arg7: memref<128x128xf32, #tpu.memory_space<vmem>>, %arg8: memref<1x128xf32, #tpu.memory_space<vmem>>, %arg9: memref<1x128xf32, #tpu.memory_space<vmem>>, %arg10: memref<2000x128xf32, #tpu.memory_space<vmem>>, %arg11: memref<2000x128xf32, #tpu.memory_space<vmem>>) attributes {dimension_semantics = [#tpu.dimension_semantics<arbitrary>], iteration_bounds = array<i64: 5>, scalar_prefetch = 0 : i64, scratch_operands = 0 : i64, tpu.core_type = #tpu.core_type<tc>, window_params = [{transform_indices = @transform_0, window_bounds = array<i64: 2, 2000, 128>}, {transform_indices = @transform_1, window_bounds = array<i64: 2000, 128>}, {transform_indices = @transform_2, window_bounds = array<i64: 2000, 1>}, {transform_indices = @transform_3, window_bounds = array<i64: 2000, 128>}, {pipeline_mode = #tpu.pipeline_mode<synchronous>, transform_indices = @transform_4, window_bounds = array<i64: 1, 128>}, {pipeline_mode = #tpu.pipeline_mode<synchronous>, transform_indices = @transform_5, window_bounds = array<i64: 1, 1>}, {pipeline_mode = #tpu.pipeline_mode<synchronous>, transform_indices = @transform_6, window_bounds = array<i64: 128, 128>}, {pipeline_mode = #tpu.pipeline_mode<synchronous>, transform_indices = @transform_7, window_bounds = array<i64: 1, 128>}, {pipeline_mode = #tpu.pipeline_mode<synchronous>, transform_indices = @transform_8, window_bounds = array<i64: 1, 128>}, {transform_indices = @transform_9, window_bounds = array<i64: 2000, 128>}, {transform_indices = @transform_10, window_bounds = array<i64: 2000, 128>}]} {
    %get3A = arith.constant 0 : index
    %get3A_0 = arith.constant 0 : index
    %get3A_1 = arith.constant 0 : index
    %get3A_2 = vector.load %arg1[%get3A, %get3A_0, %get3A_1] : memref<2x2000x128xf32, #tpu.memory_space<vmem>>, vector<1x2000x128xf32>
    %get3A_3 = vector.shape_cast %get3A_2 : vector<1x2000x128xf32> to vector<2000x128xf32>
    %get3A_4 = arith.constant 1 : index
    %get3A_5 = arith.constant 0 : index
    %get3A_6 = arith.constant 0 : index
    %get3A_7 = vector.load %arg1[%get3A_4, %get3A_5, %get3A_6] : memref<2x2000x128xf32, #tpu.memory_space<vmem>>, vector<1x2000x128xf32>
    %get3A_8 = vector.shape_cast %get3A_7 : vector<1x2000x128xf32> to vector<2000x128xf32>
    %add3A = arith.addf %get3A_3, %get3A_8 : vector<2000x128xf32>
    %get3A_9 = arith.constant 0 : index
    %get3A_10 = arith.constant 0 : index
    %get3A_11 = vector.load %arg2[%get3A_9, %get3A_10] : memref<2000x128xf32, #tpu.memory_space<vmem>>, vector<2000x128xf32>
    %add3A_12 = arith.addf %add3A, %get3A_11 : vector<2000x128xf32>
    %get3A_13 = arith.constant 0 : index
    %get3A_14 = arith.constant 0 : index
    %get3A_15 = vector.load %arg3[%get3A_13, %get3A_14] : memref<2000x1xf32, #tpu.memory_space<vmem>>, vector<2000x1xf32>
    %mul3A = vector.broadcast %get3A_15 : vector<2000x1xf32> to vector<2000x128xf32>
    %mul3A_16 = arith.mulf %mul3A, %add3A_12 : vector<2000x128xf32>
    %get3A_17 = arith.constant 0 : index
    %get3A_18 = arith.constant 0 : index
    %get3A_19 = vector.load %arg5[%get3A_17, %get3A_18] : memref<1x128xf32, #tpu.memory_space<vmem>>, vector<1x128xf32>
    %add3A_20 = vector.broadcast %get3A_19 : vector<1x128xf32> to vector<2000x128xf32>
    %add3A_21 = arith.addf %mul3A_16, %add3A_20 : vector<2000x128xf32>
    %get3A_22 = arith.constant 0 : index
    %get3A_23 = arith.constant 0 : index
    %get3A_24 = vector.load %arg4[%get3A_22, %get3A_23] : memref<2000x128xf32, #tpu.memory_space<vmem>>, vector<2000x128xf32>
    %get3A_25 = arith.constant 0 : index
    %get3A_26 = arith.constant 0 : index
    %get3A_27 = vector.load %arg6[%get3A_25, %get3A_26] : memref<1x1xf32, #tpu.memory_space<vmem>>, vector<1x1xf32>
    %logistic3A = arith.negf %get3A_27 : vector<1x1xf32>
    %logistic3A_28 = math.exp %logistic3A : vector<1x1xf32>
    %logistic3A_29 = arith.constant 1.000000e+00 : f32
    %logistic3A_30 = vector.broadcast %logistic3A_29 : f32 to vector<1x1xf32>
    %logistic3A_31 = arith.addf %logistic3A_30, %logistic3A_28 : vector<1x1xf32>
    %logistic3A_32 = arith.divf %logistic3A_30, %logistic3A_31 : vector<1x1xf32>
    %mul3A_33 = vector.broadcast %logistic3A_32 : vector<1x1xf32> to vector<2000x128xf32>
    %mul3A_34 = arith.mulf %mul3A_33, %add3A_21 : vector<2000x128xf32>
    %add3A_35 = arith.addf %get3A_24, %mul3A_34 : vector<2000x128xf32>
    %swap3A = arith.constant 0 : index
    %swap3A_36 = arith.constant 0 : index
    %swap3A_37 = vector.load %arg10[%swap3A, %swap3A_36] : memref<2000x128xf32, #tpu.memory_space<vmem>>, vector<2000x128xf32>
    tpu.vector_store %arg10[%swap3A, %swap3A_36], %add3A_35 {strides = array<i32>} : memref<2000x128xf32, #tpu.memory_space<vmem>>, vector<2000x128xf32>,
    %get3A_38 = arith.constant 0 : index
    %get3A_39 = arith.constant 0 : index
    %get3A_40 = vector.load %arg3[%get3A_38, %get3A_39] : memref<2000x1xf32, #tpu.memory_space<vmem>>, vector<2000x1xf32>
    %get3A_41 = arith.constant 0 : index
    %get3A_42 = arith.constant 0 : index
    %get3A_43 = vector.load %arg7[%get3A_41, %get3A_42] : memref<128x128xf32, #tpu.memory_space<vmem>>, vector<128x128xf32>
    %get3A_44 = arith.constant 0 : index
    %get3A_45 = arith.constant 0 : index
    %get3A_46 = vector.load %arg8[%get3A_44, %get3A_45] : memref<1x128xf32, #tpu.memory_space<vmem>>, vector<1x128xf32>
    %get3A_47 = arith.constant 0 : index
    %get3A_48 = arith.constant 0 : index
    %get3A_49 = vector.load %arg9[%get3A_47, %get3A_48] : memref<1x128xf32, #tpu.memory_space<vmem>>, vector<1x128xf32>
    %reduce_sum3A = arith.constant dense<0.000000e+00> : vector<2000xf32>
    %reduce_sum3A_50 = vector.multi_reduction <add>, %add3A_35, %reduce_sum3A [1] : vector<2000x128xf32> to vector<2000xf32>
    %broadcast_in_dim3A = vector.shape_cast %reduce_sum3A_50 : vector<2000xf32> to vector<2000x1xf32>
    %div3A = arith.constant 1.280000e+02 : f32
    %div3A_51 = vector.broadcast %div3A : f32 to vector<2000x1xf32>
    %div3A_52 = arith.divf %broadcast_in_dim3A, %div3A_51 : vector<2000x1xf32>
    %sub3A = vector.broadcast %div3A_52 : vector<2000x1xf32> to vector<2000x128xf32>
    %sub3A_53 = arith.subf %add3A_35, %sub3A : vector<2000x128xf32>
    %integer_pow3A = arith.mulf %sub3A_53, %sub3A_53 : vector<2000x128xf32>
    %reduce_sum3A_54 = arith.constant dense<0.000000e+00> : vector<2000xf32>
    %reduce_sum3A_55 = vector.multi_reduction <add>, %integer_pow3A, %reduce_sum3A_54 [1] : vector<2000x128xf32> to vector<2000xf32>
    %broadcast_in_dim3A_56 = vector.shape_cast %reduce_sum3A_55 : vector<2000xf32> to vector<2000x1xf32>
    %div3A_57 = arith.constant 1.280000e+02 : f32
    %div3A_58 = vector.broadcast %div3A_57 : f32 to vector<2000x1xf32>
    %div3A_59 = arith.divf %broadcast_in_dim3A_56, %div3A_58 : vector<2000x1xf32>
    %sub3A_60 = vector.broadcast %div3A_52 : vector<2000x1xf32> to vector<2000x128xf32>
    %sub3A_61 = arith.subf %add3A_35, %sub3A_60 : vector<2000x128xf32>
    %add3A_62 = arith.constant 9.99999974E-6 : f32
    %add3A_63 = vector.broadcast %add3A_62 : f32 to vector<2000x1xf32>
    %add3A_64 = arith.addf %div3A_59, %add3A_63 : vector<2000x1xf32>
    %sqrt3A = math.sqrt %add3A_64 : vector<2000x1xf32>
    %div3A_65 = vector.broadcast %sqrt3A : vector<2000x1xf32> to vector<2000x128xf32>
    %div3A_66 = arith.divf %sub3A_61, %div3A_65 : vector<2000x128xf32>
    %mul3A_67 = vector.broadcast %get3A_46 : vector<1x128xf32> to vector<2000x128xf32>
    %mul3A_68 = arith.mulf %div3A_66, %mul3A_67 : vector<2000x128xf32>
    %add3A_69 = vector.broadcast %get3A_49 : vector<1x128xf32> to vector<2000x128xf32>
    %add3A_70 = arith.addf %mul3A_68, %add3A_69 : vector<2000x128xf32>
    %gt3A = arith.constant 0.000000e+00 : f32
    %gt3A_71 = vector.broadcast %gt3A : f32 to vector<2000x128xf32>
    %gt3A_72 = arith.cmpf ogt, %add3A_70, %gt3A_71 : vector<2000x128xf32>
    %mul3A_73 = arith.constant 2.000000e-01 : f32
    %mul3A_74 = vector.broadcast %mul3A_73 : f32 to vector<2000x128xf32>
    %mul3A_75 = arith.mulf %mul3A_74, %add3A_70 : vector<2000x128xf32>
    %select_n3A = arith.select %gt3A_72, %add3A_70, %mul3A_75 : vector<2000x128xi1>, vector<2000x128xf32>
    %dot_general3A = arith.constant dense<0.000000e+00> : vector<2000x128xf32>
    %dot_general3A_76 = tpu.matmul %select_n3A, %get3A_43, %dot_general3A {dimension_numbers = #tpu.dot_dimension_numbers<[1], [0], [0], [1], [0, 0, 1, 1], [], []>, transpose_lhs_hint = false} : vector<2000x128xf32>, vector<128x128xf32>, vector<2000x128xf32> -> vector<2000x128xf32>
    %mul3A_77 = vector.broadcast %get3A_40 : vector<2000x1xf32> to vector<2000x128xf32>
    %mul3A_78 = arith.mulf %mul3A_77, %dot_general3A_76 : vector<2000x128xf32>
    %swap3A_79 = arith.constant 0 : index
    %swap3A_80 = arith.constant 0 : index
    %swap3A_81 = vector.load %arg11[%swap3A_79, %swap3A_80] : memref<2000x128xf32, #tpu.memory_space<vmem>>, vector<2000x128xf32>
    tpu.vector_store %arg11[%swap3A_79, %swap3A_80], %mul3A_78 {strides = array<i32>} : memref<2000x128xf32, #tpu.memory_space<vmem>>, vector<2000x128xf32>,
    return
  }
  func.func @transform_0(%arg0: i32) -> (i32, i32, i32) {
    %c0_i32 = arith.constant 0 : i32
    %c0_i32_0 = arith.constant 0 : i32
    %c0_i32_1 = arith.constant 0 : i32
    return %c0_i32, %arg0, %c0_i32_0 : i32, i32, i32
  }
  func.func @transform_1(%arg0: i32) -> (i32, i32) {
    %c0_i32 = arith.constant 0 : i32
    %c0_i32_0 = arith.constant 0 : i32
    return %arg0, %c0_i32 : i32, i32
  }
  func.func @transform_2(%arg0: i32) -> (i32, i32) {
    %c0_i32 = arith.constant 0 : i32
    %c0_i32_0 = arith.constant 0 : i32
    return %arg0, %c0_i32 : i32, i32
  }
  func.func @transform_3(%arg0: i32) -> (i32, i32) {
    %c0_i32 = arith.constant 0 : i32
    %c0_i32_0 = arith.constant 0 : i32
    return %arg0, %c0_i32 : i32, i32
  }
  func.func @transform_4(%arg0: i32) -> (i32, i32) {
    %c0_i32 = arith.constant 0 : i32
    %c0_i32_0 = arith.constant 0 : i32
    %c0_i32_1 = arith.constant 0 : i32
    return %c0_i32, %c0_i32_0 : i32, i32
  }
  func.func @transform_5(%arg0: i32) -> (i32, i32) {
    %c0_i32 = arith.constant 0 : i32
    %c0_i32_0 = arith.constant 0 : i32
    %c0_i32_1 = arith.constant 0 : i32
    return %c0_i32, %c0_i32_0 : i32, i32
  }
  func.func @transform_6(%arg0: i32) -> (i32, i32) {
    %c0_i32 = arith.constant 0 : i32
    %c0_i32_0 = arith.constant 0 : i32
    %c0_i32_1 = arith.constant 0 : i32
    return %c0_i32, %c0_i32_0 : i32, i32
  }
  func.func @transform_7(%arg0: i32) -> (i32, i32) {
    %c0_i32 = arith.constant 0 : i32
    %c0_i32_0 = arith.constant 0 : i32
    %c0_i32_1 = arith.constant 0 : i32
    return %c0_i32, %c0_i32_0 : i32, i32
  }
  func.func @transform_8(%arg0: i32) -> (i32, i32) {
    %c0_i32 = arith.constant 0 : i32
    %c0_i32_0 = arith.constant 0 : i32
    %c0_i32_1 = arith.constant 0 : i32
    return %c0_i32, %c0_i32_0 : i32, i32
  }
  func.func @transform_9(%arg0: i32) -> (i32, i32) {
    %c0_i32 = arith.constant 0 : i32
    %c0_i32_0 = arith.constant 0 : i32
    return %arg0, %c0_i32 : i32, i32
  }
  func.func @transform_10(%arg0: i32) -> (i32, i32) {
    %c0_i32 = arith.constant 0 : i32
    %c0_i32_0 = arith.constant 0 : i32
    return %arg0, %c0_i32 : i32, i32
  }
}

module attributes {stable_mosaic.version = 14 : i64} {
  func.func @_fin_body(%arg0: i32, %arg1: memref<2x2000x128xf32, #tpu.memory_space<vmem>>, %arg2: memref<2000x128xf32, #tpu.memory_space<vmem>>, %arg3: memref<2000x1xf32, #tpu.memory_space<vmem>>, %arg4: memref<2000x128xf32, #tpu.memory_space<vmem>>, %arg5: memref<1x128xf32, #tpu.memory_space<vmem>>, %arg6: memref<1x1xf32, #tpu.memory_space<vmem>>, %arg7: memref<2000x128xf32, #tpu.memory_space<vmem>>, %arg8: memref<2000x128xf32, #tpu.memory_space<vmem>>) attributes {dimension_semantics = [#tpu.dimension_semantics<arbitrary>], iteration_bounds = array<i64: 5>, scalar_prefetch = 0 : i64, scratch_operands = 0 : i64, tpu.core_type = #tpu.core_type<tc>, window_params = [{transform_indices = @transform_0, window_bounds = array<i64: 2, 2000, 128>}, {transform_indices = @transform_1, window_bounds = array<i64: 2000, 128>}, {transform_indices = @transform_2, window_bounds = array<i64: 2000, 1>}, {transform_indices = @transform_3, window_bounds = array<i64: 2000, 128>}, {pipeline_mode = #tpu.pipeline_mode<synchronous>, transform_indices = @transform_4, window_bounds = array<i64: 1, 128>}, {pipeline_mode = #tpu.pipeline_mode<synchronous>, transform_indices = @transform_5, window_bounds = array<i64: 1, 1>}, {transform_indices = @transform_6, window_bounds = array<i64: 2000, 128>}, {transform_indices = @transform_7, window_bounds = array<i64: 2000, 128>}]} {
    %get3A = arith.constant 0 : index
    %get3A_0 = arith.constant 0 : index
    %get3A_1 = arith.constant 0 : index
    %get3A_2 = vector.load %arg1[%get3A, %get3A_0, %get3A_1] : memref<2x2000x128xf32, #tpu.memory_space<vmem>>, vector<1x2000x128xf32>
    %get3A_3 = vector.shape_cast %get3A_2 : vector<1x2000x128xf32> to vector<2000x128xf32>
    %get3A_4 = arith.constant 1 : index
    %get3A_5 = arith.constant 0 : index
    %get3A_6 = arith.constant 0 : index
    %get3A_7 = vector.load %arg1[%get3A_4, %get3A_5, %get3A_6] : memref<2x2000x128xf32, #tpu.memory_space<vmem>>, vector<1x2000x128xf32>
    %get3A_8 = vector.shape_cast %get3A_7 : vector<1x2000x128xf32> to vector<2000x128xf32>
    %add3A = arith.addf %get3A_3, %get3A_8 : vector<2000x128xf32>
    %get3A_9 = arith.constant 0 : index
    %get3A_10 = arith.constant 0 : index
    %get3A_11 = vector.load %arg2[%get3A_9, %get3A_10] : memref<2000x128xf32, #tpu.memory_space<vmem>>, vector<2000x128xf32>
    %add3A_12 = arith.addf %add3A, %get3A_11 : vector<2000x128xf32>
    %get3A_13 = arith.constant 0 : index
    %get3A_14 = arith.constant 0 : index
    %get3A_15 = vector.load %arg3[%get3A_13, %get3A_14] : memref<2000x1xf32, #tpu.memory_space<vmem>>, vector<2000x1xf32>
    %mul3A = vector.broadcast %get3A_15 : vector<2000x1xf32> to vector<2000x128xf32>
    %mul3A_16 = arith.mulf %mul3A, %add3A_12 : vector<2000x128xf32>
    %get3A_17 = arith.constant 0 : index
    %get3A_18 = arith.constant 0 : index
    %get3A_19 = vector.load %arg5[%get3A_17, %get3A_18] : memref<1x128xf32, #tpu.memory_space<vmem>>, vector<1x128xf32>
    %add3A_20 = vector.broadcast %get3A_19 : vector<1x128xf32> to vector<2000x128xf32>
    %add3A_21 = arith.addf %mul3A_16, %add3A_20 : vector<2000x128xf32>
    %get3A_22 = arith.constant 0 : index
    %get3A_23 = arith.constant 0 : index
    %get3A_24 = vector.load %arg4[%get3A_22, %get3A_23] : memref<2000x128xf32, #tpu.memory_space<vmem>>, vector<2000x128xf32>
    %get3A_25 = arith.constant 0 : index
    %get3A_26 = arith.constant 0 : index
    %get3A_27 = vector.load %arg6[%get3A_25, %get3A_26] : memref<1x1xf32, #tpu.memory_space<vmem>>, vector<1x1xf32>
    %logistic3A = arith.negf %get3A_27 : vector<1x1xf32>
    %logistic3A_28 = math.exp %logistic3A : vector<1x1xf32>
    %logistic3A_29 = arith.constant 1.000000e+00 : f32
    %logistic3A_30 = vector.broadcast %logistic3A_29 : f32 to vector<1x1xf32>
    %logistic3A_31 = arith.addf %logistic3A_30, %logistic3A_28 : vector<1x1xf32>
    %logistic3A_32 = arith.divf %logistic3A_30, %logistic3A_31 : vector<1x1xf32>
    %mul3A_33 = vector.broadcast %logistic3A_32 : vector<1x1xf32> to vector<2000x128xf32>
    %mul3A_34 = arith.mulf %mul3A_33, %add3A_21 : vector<2000x128xf32>
    %add3A_35 = arith.addf %get3A_24, %mul3A_34 : vector<2000x128xf32>
    %get3A_36 = arith.constant 0 : index
    %get3A_37 = arith.constant 0 : index
    %get3A_38 = vector.load %arg7[%get3A_36, %get3A_37] : memref<2000x128xf32, #tpu.memory_space<vmem>>, vector<2000x128xf32>
    %add3A_39 = arith.addf %add3A_35, %get3A_38 : vector<2000x128xf32>
    %swap3A = arith.constant 0 : index
    %swap3A_40 = arith.constant 0 : index
    %swap3A_41 = vector.load %arg8[%swap3A, %swap3A_40] : memref<2000x128xf32, #tpu.memory_space<vmem>>, vector<2000x128xf32>
    tpu.vector_store %arg8[%swap3A, %swap3A_40], %add3A_39 {strides = array<i32>} : memref<2000x128xf32, #tpu.memory_space<vmem>>, vector<2000x128xf32>,
    return
  }
  func.func @transform_0(%arg0: i32) -> (i32, i32, i32) {
    %c0_i32 = arith.constant 0 : i32
    %c0_i32_0 = arith.constant 0 : i32
    %c0_i32_1 = arith.constant 0 : i32
    return %c0_i32, %arg0, %c0_i32_0 : i32, i32, i32
  }
  func.func @transform_1(%arg0: i32) -> (i32, i32) {
    %c0_i32 = arith.constant 0 : i32
    %c0_i32_0 = arith.constant 0 : i32
    return %arg0, %c0_i32 : i32, i32
  }
  func.func @transform_2(%arg0: i32) -> (i32, i32) {
    %c0_i32 = arith.constant 0 : i32
    %c0_i32_0 = arith.constant 0 : i32
    return %arg0, %c0_i32 : i32, i32
  }
  func.func @transform_3(%arg0: i32) -> (i32, i32) {
    %c0_i32 = arith.constant 0 : i32
    %c0_i32_0 = arith.constant 0 : i32
    return %arg0, %c0_i32 : i32, i32
  }
  func.func @transform_4(%arg0: i32) -> (i32, i32) {
    %c0_i32 = arith.constant 0 : i32
    %c0_i32_0 = arith.constant 0 : i32
    %c0_i32_1 = arith.constant 0 : i32
    return %c0_i32, %c0_i32_0 : i32, i32
  }
  func.func @transform_5(%arg0: i32) -> (i32, i32) {
    %c0_i32 = arith.constant 0 : i32
    %c0_i32_0 = arith.constant 0 : i32
    %c0_i32_1 = arith.constant 0 : i32
    return %c0_i32, %c0_i32_0 : i32, i32
  }
  func.func @transform_6(%arg0: i32) -> (i32, i32) {
    %c0_i32 = arith.constant 0 : i32
    %c0_i32_0 = arith.constant 0 : i32
    return %arg0, %c0_i32 : i32, i32
  }
  func.func @transform_7(%arg0: i32) -> (i32, i32) {
    %c0_i32 = arith.constant 0 : i32
    %c0_i32_0 = arith.constant 0 : i32
    return %arg0, %c0_i32 : i32, i32
  }
}

</mosaic_0001>

<sc_bundles>
// kernel: kernel.11.cloned.1.call-start
scs
__scs_entry_jumppad:
0x0: {  	(pc) =	sbr.rel $0x88, $3  }
0x1: {  	(tag) =	ssettag $0x0;
	lr =	simm.s32 $0x1  }
0x2: {  	[smem:$0x3F95] =	sst lr;
	_ =	strace $0xD0000000  }
0x3: {  	_ = 	snop  }
0x4: {  	_ = 	snop  }
0x5: {  	_ = 	snop  }
0x6: {  	_ = 	snop  }
0x7: {  	_ = 	snop  }
__scs_overlays_trampoline_lowered:
0x8: {  	[smem:$0x3FA4] =	sst s0  }
0x9: {  	[smem:$0x3FA5] =	sst s1  }
0xa: {  	[smem:$0x3FA6] =	sst s2  }
0xb: {  	[smem:$0x3FA7] =	sst s3  }
0xc: {  	[smem:$0x3FA8] =	sst s4  }
0xd: {  	[smem:$0x3FA9] =	sst s5  }
0xe: {  	[smem:$0x3FAA] =	sst s6  }
0xf: {  	[smem:$0x3FAB] =	sst s7  }
0x10: {  	[smem:$0x3FAC] =	sst s8  }
0x11: {  	[smem:$0x3FAD] =	sst s9;
	s0 =	simm.s32 @!p0 $0x0  }
0x12: {  	s1 =	sld [smem:$0x3F93];
	s0 =	simm.s32 @p0 $0x1  }
0x13: {  	[smem:$0x3FAE] =	sst s0;
	s0 =	simm.s32 @!p1 $0x0  }
0x14: {  	s2 =	sld [smem:$0x3F92];
	s0 =	simm.s32 @p1 $0x1  }
0x15: {  	[smem:$0x3FAF] =	sst s0;
	s0 =	simm.s32 @!p2 $0x0  }
0x16: {  	s3 =	sld [smem:$0x3FDB];
	s0 =	simm.s32 @p2 $0x1  }
0x17: {  	s4 =	simm.s32 $0x1BF5;
	[smem:$0x3FB1] =	sst s0  }
0x18: {  	s0 =	sld [smem:$0x3F94];
	_ =	swait.ge [sflag:s4], $0x0  }
0x19: {  	s7 =	sld [smem:$0x3F95]  }
0x1a: {  	s8 =	sadd.s32 $0xFFFFE003, lr  }
0x1b: {  	s9 =	sadd.s32 $0xFFFFFEF7, lr;
	s5 =	simm.s32 $0xFFFFFFFF;
	p2 =	slt.u32 s8, $0xFFFFF086  }
0x1c: {  	p1 =	slt.u32 s9, $0xF7A;
	s5 =	simm.s32 @!p2 $0x0  }
0x1d: {  	s5 =	simm.s32 @p1 $0x1;
	p0 =	seq.s32 s7, s2  }
0x1e: {  	s7 =	smul.u32 @!p0 $0xF7A, s2;
	p2 =	seq.s32 @!p0 s5, $0x0  }
0x1f: {  	s9 =	smul.u32 $0xF7A, s1;
	s8 =	simm.s32 @!p0 $0x1BF5;
	p2 =	por !p2, p0  }
0x20: {  	[sflag:s8] =	ssyncset.s32 @!p0 $0xFFFFF086;
	s6 =	sadd.s32 @!p0 s3, s7;
	s7 =	simm.s32 @!p0 $0x108  }
0x21: {  	s3 =	sadd.s32 s3, s9;
	s6 =	sadd.s32 @!p0 $0x88, s6;
	s7 =	simm.s32 @p2 $0x1082  }
0x22: {  	[simem:s7], [sflag:s8] =	dma.local @!p0 [hbm:s6], $0xF7A  }
0x23: {  	s9 =	sor.u32 $0xD0000000, s2;
	s6 =	simm.s32 $0x108;
	_ =	swait.ge @!p0 [sflag:s8], $0x0  }
0x24: {  	s3 =	sadd.s32 $0x88, s3;
	s6 =	simm.s32 @!p1 $0x1082;
	[sflag:s4] =	ssyncset.s32 $0xFFFFF086  }
0x25: {  	[simem:s6], [sflag:s4] =	dma.local [hbm:s3], $0xF7A  }
0x26: {  	[smem:$0x3F95] =	sst s1;
	(tag) =	ssettag s2;
	_ =	strace s9  }
0x27: {  	s1 =	sld [smem:$0x3FA5]  }
0x28: {  	s2 =	sld [smem:$0x3FA6]  }
0x29: {  	s4 =	sld [smem:$0x3FA8]  }
0x2a: {  	p0 =	seq.s32 s5, $0x0;
	s5 =	sld [smem:$0x3FA9]  }
0x2b: {  	s6 =	sld [smem:$0x3FAA]  }
0x2c: {  	s7 =	sld [smem:$0x3FAB]  }
0x2d: {  	s3 =	simm.s32 $0x108;
	s8 =	sld [smem:$0x3FAC]  }
0x2e: {  	s3 =	simm.s32 @!p0 $0x1082;
	s9 =	sld [smem:$0x3FAD]  }
0x2f: {  	lr =	sadd.s32 s0, s3;
	s0 =	sld [smem:$0x3FA4]  }
0x30: {  	s3 =	sld [smem:$0x3FA7]  }
0x31: {  	[smem:$0x3FB0] =	sst s10  }
0x32: {  	s10 =	sld [smem:$0x3FAE];
	_ =	sdelay $0x3  }
0x33: {  	p0 =	seq.s32 s10, $0x1;
	s10 =	sld [smem:$0x3FB0];
	_ =	sdelay $0x3  }
0x34: {  	[smem:$0x3FB0] =	sst s10  }
0x35: {  	s10 =	sld [smem:$0x3FAF];
	_ =	sdelay $0x3  }
0x36: {  	p1 =	seq.s32 s10, $0x1;
	s10 =	sld [smem:$0x3FB0];
	_ =	sdelay $0x3  }
0x37: {  	[smem:$0x3FB0] =	sst s10  }
0x38: {  	s10 =	sld [smem:$0x3FB1]  }
0x39: {  	_ = 	snop;
	(pc) =	sbr.ind lr, $3  }
0x3a: {  	_ = 	snop  }
0x3b: {  	_ = 	snop  }
0x3c: {  	p2 =	seq.s32 s10, $0x1;
	s10 =	sld [smem:$0x3FB0]  }
0x3d: {  	_ =	shalt  }
0x3e: {  	_ =	shalt  }
0x3f: {  	_ =	shalt  }
0x40: {  	_ =	shalt  }
0x41: {  	_ =	shalt  }
0x42: {  	_ =	shalt  }
0x43: {  	_ =	shalt  }
0x44: {  	_ =	shalt  }
0x45: {  	_ =	shalt  }
0x46: {  	_ =	shalt  }
0x47: {  	_ =	shalt  }
0x48: {  	_ =	shalt  }
0x49: {  	_ =	shalt  }
0x4a: {  	_ =	shalt  }
0x4b: {  	_ =	shalt  }
0x4c: {  	_ =	shalt  }
0x4d: {  	_ =	shalt  }
0x4e: {  	_ =	shalt  }
0x4f: {  	_ =	shalt  }
0x50: {  	_ =	shalt  }
0x51: {  	_ =	shalt  }
0x52: {  	_ =	shalt  }
0x53: {  	_ =	shalt  }
0x54: {  	_ =	shalt  }
0x55: {  	_ =	shalt  }
0x56: {  	_ =	shalt  }
0x57: {  	_ =	shalt  }
0x58: {  	_ =	shalt  }
0x59: {  	_ =	shalt  }
0x5a: {  	_ =	shalt  }
0x5b: {  	_ =	shalt  }
0x5c: {  	_ =	shalt  }
0x5d: {  	_ =	shalt  }
0x5e: {  	_ =	shalt  }
0x5f: {  	_ =	shalt  }
0x60: {  	_ =	shalt  }
0x61: {  	_ =	shalt  }
0x62: {  	_ =	shalt  }
0x63: {  	_ =	shalt  }
0x64: {  	_ =	shalt  }
0x65: {  	_ =	shalt  }
0x66: {  	_ =	shalt  }
0x67: {  	_ =	shalt  }
0x68: {  	_ =	shalt  }
0x69: {  	_ =	shalt  }
0x6a: {  	_ =	shalt  }
0x6b: {  	_ =	shalt  }
0x6c: {  	_ =	shalt  }
0x6d: {  	_ =	shalt  }
0x6e: {  	_ =	shalt  }
0x6f: {  	_ =	shalt  }
0x70: {  	_ =	shalt  }
0x71: {  	_ =	shalt  }
0x72: {  	_ =	shalt  }
0x73: {  	_ =	shalt  }
0x74: {  	_ =	shalt  }
0x75: {  	_ =	shalt  }
0x76: {  	_ =	shalt  }
0x77: {  	_ =	shalt  }
0x78: {  	_ =	shalt  }
0x79: {  	_ =	shalt  }
0x7a: {  	_ =	shalt  }
0x7b: {  	_ =	shalt  }
0x7c: {  	_ =	shalt  }
0x7d: {  	_ =	shalt  }
0x7e: {  	_ =	shalt  }
0x7f: {  	_ =	shalt  }
0x80: {  	_ =	shalt  }
0x81: {  	_ =	shalt  }
0x82: {  	_ =	shalt  }
0x83: {  	_ =	shalt  }
0x84: {  	_ =	shalt  }
0x85: {  	_ =	shalt  }
0x86: {  	_ =	shalt  }
0x87: {  	_ =	shalt  }
.Lfunc_end0:
.L_simem_size_0:
called_computation.1_lowered:
.L_overlay_start_0:
0x88: {  	s2 =	sld [smem:$0x3FD9]  }
0x89: {  	s3 =	sld [smem:$0x3FFE];
	_ =	sdelay $0x1  }
0x8a: {  	s1 =	srdreg.scid  }
0x8b: {  	s0 =	sand.u32 $0x1, s1  }
0x8c: {  	s17 =	sshll.u32 s0, $0xA;
	s2 =	sadd.s32 s3, s2  }
0x8d: {  	s2 =	sadd.s32 s2, s17  }
0x8e: {  	[smem:$0x3FBC] =	sst s2  }
0x8f: {  	_ = 	snop  }
0x90: {  	s2 =	sld [smem:$0x3FD0];
	(tm) =	ssettm $0x1  }
0x91: {  	s18 =	sld [smem:$0x3FFB];
	_ =	sdelay $0x3  }
0x92: {  	_ =	strace s18  }
0x93: {  	s3 =	sld [smem:$0x3FFC];
	_ =	sdelay $0x3  }
0x94: {  	_ =	strace s3  }
0x95: {  	s3 =	sld [smem:$0x3FFD];
	_ =	sdelay $0x3  }
0x96: {  	_ =	strace s3  }
0x97: {  	_ =	strace $0x8FFFFFFF  }
0x98: {  	s19 =	sld [smem:$0x3FDB];
	_ =	sdelay $0x1  }
0x99: {  	s4 =	simm.s32 $_scs_section_size  }
0x9a: {  	s5 =	simm.s32 $_size__tile_overlayer_lowered;
	s6 =	simm.s32 $_tile_overlayer_lowered  }
0x9b: {  	s22 =	simm.s32 $0x1BFF;
	s21 =	sshll.u32 s6, $0x1;
	s3 =	sadd.s32 s4, s19  }
0x9c: {  	s7 =	simm.s32 $0x0;
	s20 =	sshll.u32 s5, $0x1;
	s5 =	sadd.s32 s21, s3  }
0x9d: {  	[timem:s7], [sflag:s22] =	dma.local [hbm:s5], s20  }
0x9e: {  	_ =	swait.ge [sflag:s22], s20  }
0x9f: {  	s4 =	ssub.s32 $0x0, s20;
	[sflag:s22] =	ssyncset.done $0x0  }
0xa0: {  	[sflag:s22] =	ssyncadd.s32 s4;
	_ =	sdelay $0x1  }
0xa1: {  	s23 =	simm.s32 $0x1B8B  }
0xa2: {  	_ =	swait.ge [sflag:s23], $0x1  }
0xa3: {  	[sflag:s23] =	ssyncset.done $0x0  }
0xa4: {  	s25 =	simm.s32 $0x1B8E;
	s24 =	sld [smem:$0x3FFE];
	[sflag:s23] =	ssyncadd.s32 $0xFFFFFFFF  }
0xa5: {  	s26 =	simm.s32 $execute0_lowered;
	[smem:$0x3FD2] =	sst s25  }
0xa6: {  	s5 =	sshll.u32 s26, $0x1;
	_ =	strace $0x80000049;
	[dreg:$0x1] =	wrdreg $0xFFFFFFFF  }
0xa7: {  	s28 =	simm.s32 $_size_execute0_lowered;
	s3 =	sadd.s32 s3, s5;
	[dreg:$0x0] =	wrdreg $0x0  }
0xa8: {  	s5 =	sshll.u32 s28, $0x1;
	[dreg:$0x2] =	wrdreg s3  }
0xa9: {  	[dreg:$0x3] =	wrdreg s5  }
0xaa: {  	[dreg:$0x4] =	wrdreg $0xC0  }
0xab: {  	_ =	task [dreg:s7], $0x5FFFF  }
0xac: {  	[dreg:$0x1] =	wrdreg $0xFFFFFFFF  }
0xad: {  	[dreg:$0x0] =	wrdreg $0x60  }
0xae: {  	[dreg:$0x2] =	wrdreg s2  }
0xaf: {  	[dreg:$0x3] =	wrdreg s24  }
0xb0: {  	[dreg:$0x4] =	wrdreg $0xA1000  }
0xb1: {  	[dreg:$0x5] =	wrdreg $0x9  }
0xb2: {  	_ =	task.clear_ibuf [dreg:s7], $0x6FFFF;
	_ =	strace $0x90000049  }
0xb3: {  	s29 =	simm.s32 $0x9;
	_ =	strace $0x8000004B  }
0xb4: {  	_ =	swait.ge [sflag:s29], $0x1  }
0xb5: {  	[sflag:s29] =	ssyncadd.s32 $0xFFFFFFFF  }
0xb6: {  	_ =	strace $0x9000004B  }
0xb7: {  	_ =	sfence  }
0xb8: {  	s30 =	sld [smem:$0x0];
	_ =	sdelay $0x2  }
0xb9: {  	s31 =	sshll.u32 s1, $0xD;
	s1 =	sshrl.u32 s1, $0x2  }
0xba: {  	s3 =	sand.u32 $0x4000, s31;
	s1 =	sadd.s32 s1, s30  }
0xbb: {  	s0 =	sor.u32 s3, s0;
	s1 =	sshll.u32 s1, $0x11  }
0xbc: {  	s0 =	sor.u32 s1, s0  }
0xbd: {  	s0 =	sadd.s32 $0x8F2B, s0  }
0xbe: {  	[sflag:s0] =	ssyncadd.remote.s32 $0x1  }
0xbf: {  	_ =	sfence.sel $0xFFFF  }
0xc0: {  	[dreg:$0x0] =	wrdreg $0xFFFFFFFF;
	(pc) =	sbr.abs _section_cstart, $3  }
0xc1: {  	[dreg:$0x1] =	wrdreg $0xFFFFFFFF  }
0xc2: {  	_ =	task.clear_ibuf [dreg:s7], $0x2FFFF;
	_ =	strace $0x9FFFFFFF  }
0xc3: {  	(tm) =	ssettm $0x7FFFFFFF  }
tec
execute0_lowered:
.L_overlay_start_1:
0x0: {  	(tag) =	ssettag $0x1  }
0x1: {  	s2 =	rddreg [dreg:$0x0]  }
0x2: {  	s0 =	srdreg.scid;
	s5 =	rddreg [dreg:$0x1]  }
0x3: {  	s11 =	stileid.u32;
	s3 =	rddreg [dreg:$0x2]  }
0x4: {  	s4 =	simm.s32 $0x0;
	s28 =	simm.s32 $0x50;
	s29 =	simm.s32 $0x2800  }
0x5: {  	s30 =	simm.s32 $0x5100;
	s31 =	simm.s32 $0x4;
	s7 =	smul.u32 $0x14000, s11  }
0x6: {  	s0 =	sand.u32 $0x1, s0;
	s1 =	sshll.u32 s11, $0x1;
	s9 =	smul.u32 $0x50000, s11  }
0x7: {  	[smem:$0x7FF] =	sst s4;
	s10 =	sadd.s32 $0xD000, s5;
	s18 =	smul.u32 $0x4E20, s11  }
0x8: {  	s11 =	simm.s32 $0x6;
	s1 =	sor.u32 s0, s1;
	s6 =	smul.u32 $0x140000, s0  }
0x9: {  	_ =	strace $0x8000004A;
	s25 =	ssub.s32 $0x2, s0;
	s0 =	smul.u32 $0x2710, s0  }
0xa: {  	s1 =	smul.u32 $0x2710, s1;
	s26 =	sshrl.u32 s25, $0x1;
	s9 =	sshrl.u32 s9, $0x2  }
0xb: {  	s6 =	sadd.s32 s7, s6;
	s7 =	ssub.s32 s25, s26;
	s0 =	sadd.s32 s0, s18  }
0xc: {  	s1 =	sshrl.u32 s1, $0x3;
	s6 =	sshrl.u32 s6, $0x3;
	s14 =	smax.u32 s7, $0x1  }
0xd: {  	s26 =	sadd.s32 $0x1E0, s0;
	s7 =	simm.s32 $0x5;
	s8 =	sadd.s32 s1, s5  }
0xe: {  	s6 =	sadd.s32 s6, s5;
	s5 =	sadd.s32 s10, s1;
	[dreg:$0x7] =	wrdreg s14  }
0xf: {  	s1 =	sadd.s32 $0x230, s0;
	s0 =	sadd.s32 $0x190, s0;
	s8 =	sadd.s32 $0x3200, s8  }
0x10: {  	s14 =	simm.s32 $0x9;
	s12 =	sadd.s32 $0xA, s5;
	[dreg:$0x4] =	wrdreg s8  }
0x11: {  	s13 =	sadd.s32 $0x16E00, s6;
	s23 =	sadd.s32 $0x14, s5;
	[dreg:$0x5] =	wrdreg s12  }
0x12: {  	s24 =	sadd.s32 $0x1E, s5;
	s25 =	sadd.s32 $0x28, s5;
	[dreg:$0x6] =	wrdreg s13  }
0x13: {  	s1 =	sshrl.u32 s1, $0x3;
	s6 =	sshrl.u32 s26, $0x3;
	[dreg:$0xf] =	wrdreg s23  }
0x14: {  	s0 =	sshrl.u32 s0, $0x3;
	s8 =	sadd.s32 s9, s3;
	[dreg:$0x10] =	wrdreg s24  }
0x15: {  	s26 =	simm.s32 $0x2780;
	[dreg:$0x11] =	wrdreg s25;
	s15 =	sadd.s32 $0x2800, s8  }
0x16: {  	s23 =	sadd.s32 s0, s10;
	s16 =	sadd.s32 $0x5000, s8;
	[dreg:$0x8] =	wrdreg s15  }
0x17: {  	s24 =	simm.s32 $0x2900;
	s17 =	sadd.s32 $0x7800, s8;
	[dreg:$0x9] =	wrdreg s16  }
0x18: {  	s25 =	simm.s32 $0xA;
	s19 =	sadd.s32 $0xA000, s8;
	[dreg:$0xa] =	wrdreg s17  }
0x19: {  	s0 =	simm.s32 $0x2880;
	s20 =	sadd.s32 $0xC800, s8;
	[dreg:$0xb] =	wrdreg s19  }
.Ltmp0:
0x1a: {  	s21 =	sadd.s32 $0xF000, s8;
	[dreg:$0xc] =	wrdreg s20;
	(pc) =	sbr.rel .LBB2_1-.Ltmp0, $4  }
0x1b: {  	s9 =	simm.s32 $0x2;
	s22 =	sadd.s32 $0x11800, s8;
	[dreg:$0xd] =	wrdreg s21  }
0x1c: {  	s12 =	simm.s32 $0x3;
	s13 =	simm.s32 $0x8;
	[dreg:$0xe] =	wrdreg s22  }
0x1d: {  	s21 =	sadd.s32 s1, s10;
	s22 =	sadd.s32 s6, s10;
	s1 =	simm.s32 $0x1  }
0x1e: {  	v0 =	vimm.f32 $0.0e+00;
	s6 =	simm.s32 $0x7900;
	s10 =	simm.s32 $0x7;
	s15 =	simm.s32 $0x0  }
.LBB2_6:
0x1f: {  	[spmem:s3] =	stream.indirect.scatter.add.f32 [tilespmem:s30], [sflag:$0x8], $0x80, s29, s28, $0xb8;
	[tilespmem:$0x1E100] =	vst v63  }
0x20: {  	_ =	swait.ge [sflag:s13], $0x2800  }
0x21: {  	[sflag:s13] =	ssyncset.done $0x0  }
0x22: {  	s16 =	stileid.u32;
	[sflag:s13] =	ssyncadd.s32 $0xFFFFD800  }
0x23: {  	s16 =	sshll.u32 s16, $0x6;
	[bflag:$0x0] =	sbarrier.arrive $0xFFFF  }
0x24: {  	s17 =	sshrl.u32 s8, $0x3;
	s16 =	sor.u32 $0x1C0A, s16;
	s18 =	rddreg [dreg:$0x6]  }
0x25: {  	[hbm:s18], [sflag:s16] =	dma.local [spmem:s17], $0x2800  }
0x26: {  	_ =	swait.ge [sflag:s25], $0x2800  }
0x27: {  	s15 =	sadd.s32 $0x1, s15;
	s20 =	rddreg [dreg:$0x7]  }
0x28: {  	p0 =	sne.s32 s15, s20  }
.Ltmp1:
0x29: {  	_ = 	snop;
	(pc) =	sbr.rel @!p0 .LBB2_7-.Ltmp1, $3  }
0x2a: {  	_ =	sdelay $0x1  }
0x2b: {  	[sflag:s25] =	ssyncset.done $0x0  }
0x2c: {  	[sflag:s25] =	ssyncadd.s32 $0xFFFFD800  }
.LBB2_1:
0x2d: {  	s16 =	sand.u32 $0xFE00, s4  }
0x2e: {  	s17 =	sand.u32 $0x70, s4;
	s18 =	sshrl.u32 s16, $0x2  }
0x2f: {  	s16 =	simm.s32 $0x40;
	s18 =	sor.u32 s17, s18;
	s17 =	simm.s32 $0x0  }
.LBB2_2:
0x30: {  	p0 =	sne.s32 s16, $0x9FC0  }
0x31: {  	[tilespmem:s18+$0x2900] =	vst v0;
	s17 =	sadd.s32 $0x10, s17;
	s18 =	smov.u32 s16;
	s16 =	sadd.s32 $0x40, s16  }
.Ltmp2:
0x32: {  	(pc) =	sbr.rel @p0 .LBB2_2-.Ltmp2, $4  }
0x33: {  	_ = 	snop  }
0x34: {  	s18 =	sand.u32 $0xFE00, s18  }
0x35: {  	s19 =	sand.u32 $0x70, s17;
	s18 =	sshrl.u32 s18, $0x2  }
0x36: {  	s18 =	sor.u32 s19, s18  }
0x37: {  	[tilespmem:s18+$0x2900] =	vst v0  }
0x38: {  	[spmem:s8] =	stream.linear.scatter [tilespmem:s24], [sflag:$0xA], $0x2800, $0x38;
	[tilespmem:$0x1E100] =	vst v63  }
0x39: {  	_ =	swait.ge [sflag:s25], $0x2800  }
0x3a: {  	[sflag:s25] =	ssyncset.done $0x0  }
0x3b: {  	s16 =	rddreg [dreg:$0x8];
	[sflag:s25] =	ssyncadd.s32 $0xFFFFD800  }
0x3c: {  	[spmem:s16] =	stream.linear.scatter [tilespmem:s24], [sflag:$0xA], $0x2800, $0x38;
	[tilespmem:$0x1E100] =	vst v63  }
0x3d: {  	_ =	swait.ge [sflag:s25], $0x2800  }
0x3e: {  	[sflag:s25] =	ssyncset.done $0x0  }
0x3f: {  	s18 =	rddreg [dreg:$0x9];
	[sflag:s25] =	ssyncadd.s32 $0xFFFFD800  }
0x40: {  	[spmem:s18] =	stream.linear.scatter [tilespmem:s24], [sflag:$0xA], $0x2800, $0x38;
	[tilespmem:$0x1E100] =	vst v63  }
0x41: {  	_ =	swait.ge [sflag:s25], $0x2800  }
0x42: {  	[sflag:s25] =	ssyncset.done $0x0  }
0x43: {  	s19 =	rddreg [dreg:$0xa];
	[sflag:s25] =	ssyncadd.s32 $0xFFFFD800  }
0x44: {  	[spmem:s19] =	stream.linear.scatter [tilespmem:s24], [sflag:$0xA], $0x2800, $0x38;
	[tilespmem:$0x1E100] =	vst v63  }
0x45: {  	_ =	swait.ge [sflag:s25], $0x2800  }
0x46: {  	[sflag:s25] =	ssyncset.done $0x0  }
0x47: {  	s20 =	rddreg [dreg:$0xb];
	[sflag:s25] =	ssyncadd.s32 $0xFFFFD800  }
0x48: {  	[spmem:s20] =	stream.linear.scatter [tilespmem:s24], [sflag:$0xA], $0x2800, $0x38;
	[tilespmem:$0x1E100] =	vst v63  }
0x49: {  	_ =	swait.ge [sflag:s25], $0x2800  }
0x4a: {  	[sflag:s25] =	ssyncset.done $0x0  }
0x4b: {  	s17 =	rddreg [dreg:$0xc];
	[sflag:s25] =	ssyncadd.s32 $0xFFFFD800  }
0x4c: {  	[spmem:s17] =	stream.linear.scatter [tilespmem:s24], [sflag:$0xA], $0x2800, $0x38;
	[tilespmem:$0x1E100] =	vst v63  }
0x4d: {  	_ =	swait.ge [sflag:s25], $0x2800  }
0x4e: {  	[sflag:s25] =	ssyncset.done $0x0  }
0x4f: {  	s18 =	rddreg [dreg:$0xd];
	[sflag:s25] =	ssyncadd.s32 $0xFFFFD800  }
0x50: {  	[spmem:s18] =	stream.linear.scatter [tilespmem:s24], [sflag:$0xA], $0x2800, $0x38;
	[tilespmem:$0x1E100] =	vst v63  }
0x51: {  	_ =	swait.ge [sflag:s25], $0x2800  }
0x52: {  	[sflag:s25] =	ssyncset.done $0x0  }
0x53: {  	s19 =	rddreg [dreg:$0xe];
	[sflag:s25] =	ssyncadd.s32 $0xFFFFD800  }
0x54: {  	[spmem:s19] =	stream.linear.scatter [tilespmem:s24], [sflag:$0xA], $0x2800, $0x38;
	[tilespmem:$0x1E100] =	vst v63  }
0x55: {  	_ =	swait.ge [sflag:s25], $0x2800  }
0x56: {  	[sflag:s25] =	ssyncset.done $0x0  }
0x57: {  	s16 =	simm.s32 $0x0;
	s17 =	rddreg [dreg:$0x4];
	[sflag:s25] =	ssyncadd.s32 $0xFFFFD800  }
0x58: {  	[tilespmem:s16], [sflag:$0xA] =	stream.linear.gather [hbm4b:s17+s16], $0x2710, $0x38;
	[tilespmem:$0x1E100] =	vst v63  }
0x59: {  	_ =	swait.ge [sflag:s25], $0x2710  }
0x5a: {  	[sflag:s25] =	ssyncset.done $0x0  }
0x5b: {  	[sflag:s25] =	ssyncadd.s32 $0xFFFFD8F0  }
0x5c: {  	[bflag:$0x0] =	sbarrier.arrive $0xFFFF  }
0x5d: {  	[tilespmem:s26], [sflag:$0x4] =	stream.linear.gather [hbm4b:s5+s16], $0x50, $0x38;
	[tilespmem:$0x1E100] =	vst v63  }
0x5e: {  	_ = 	snop  }
0x5f: {  	[tilespmem:s24], [sflag:$0x1] =	stream.indirect.gather [hbm4b:s2+s28], $0x80, s16, s28, $0xb8;
	[tilespmem:$0x1E100] =	vst v63  }
0x60: {  	s20 =	rddreg [dreg:$0x5]  }
0x61: {  	[tilespmem:s29], [sflag:$0x5] =	stream.linear.gather [hbm4b:s20+s16], $0x50, $0x38;
	[tilespmem:$0x1E100] =	vst v63  }
0x62: {  	_ = 	snop  }
0x63: {  	[tilespmem:s30], [sflag:$0x2] =	stream.indirect.gather [hbm4b:s2+s28], $0x80, s28, s28, $0xb8;
	[tilespmem:$0x1E100] =	vst v63  }
0x64: {  	_ =	swait.ge [sflag:s31], $0x50  }
0x65: {  	[sflag:s31] =	ssyncset.done $0x0  }
0x66: {  	[sflag:s31] =	ssyncadd.s32 $0xFFFFFFB0  }
0x67: {  	_ =	swait.ge [sflag:s1], $0x2800  }
0x68: {  	[sflag:s1] =	ssyncset.done $0x0  }
0x69: {  	s18 =	rddreg [dreg:$0xf];
	[sflag:s1] =	ssyncadd.s32 $0xFFFFD800  }
0x6a: {  	[tilespmem:s0], [sflag:$0x6] =	stream.linear.gather [hbm4b:s18+s16], $0x50, $0x38;
	[tilespmem:$0x1E100] =	vst v63  }
0x6b: {  	s19 =	simm.s32 $0xA0  }
0x6c: {  	[tilespmem:s6], [sflag:$0x3] =	stream.indirect.gather [hbm4b:s2+s28], $0x80, s19, s28, $0xb8;
	[tilespmem:$0x1E100] =	vst v63  }
0x6d: {  	_ = 	snop  }
0x6e: {  	[spmem:s3] =	stream.indirect.scatter.add.f32 [tilespmem:s24], [sflag:$0x7], $0x80, s26, s28, $0xb8;
	[tilespmem:$0x1E100] =	vst v63  }
0x6f: {  	_ =	swait.ge [sflag:s7], $0x50  }
0x70: {  	[sflag:s7] =	ssyncset.done $0x0  }
0x71: {  	[sflag:s7] =	ssyncadd.s32 $0xFFFFFFB0  }
0x72: {  	_ =	swait.ge [sflag:s9], $0x2800  }
0x73: {  	[sflag:s9] =	ssyncset.done $0x0  }
0x74: {  	[sflag:s9] =	ssyncadd.s32 $0xFFFFD800  }
0x75: {  	_ =	swait.ge [sflag:s10], $0x2800  }
0x76: {  	[sflag:s10] =	ssyncset.done $0x0  }
0x77: {  	s20 =	rddreg [dreg:$0x10];
	[sflag:s10] =	ssyncadd.s32 $0xFFFFD800  }
0x78: {  	[tilespmem:s26], [sflag:$0x4] =	stream.linear.gather [hbm4b:s20+s16], $0x50, $0x38;
	[tilespmem:$0x1E100] =	vst v63  }
0x79: {  	s18 =	simm.s32 $0xF0  }
0x7a: {  	[tilespmem:s24], [sflag:$0x1] =	stream.indirect.gather [hbm4b:s2+s28], $0x80, s18, s28, $0xb8;
	[tilespmem:$0x1E100] =	vst v63  }
0x7b: {  	_ = 	snop  }
0x7c: {  	[spmem:s3] =	stream.indirect.scatter.add.f32 [tilespmem:s30], [sflag:$0x8], $0x80, s29, s28, $0xb8;
	[tilespmem:$0x1E100] =	vst v63  }
0x7d: {  	_ =	swait.ge [sflag:s11], $0x50  }
0x7e: {  	[sflag:s11] =	ssyncset.done $0x0  }
0x7f: {  	[sflag:s11] =	ssyncadd.s32 $0xFFFFFFB0  }
0x80: {  	_ =	swait.ge [sflag:s12], $0x2800  }
0x81: {  	[sflag:s12] =	ssyncset.done $0x0  }
0x82: {  	[sflag:s12] =	ssyncadd.s32 $0xFFFFD800  }
0x83: {  	_ =	swait.ge [sflag:s13], $0x2800  }
0x84: {  	[sflag:s13] =	ssyncset.done $0x0  }
0x85: {  	s19 =	rddreg [dreg:$0x11];
	[sflag:s13] =	ssyncadd.s32 $0xFFFFD800  }
0x86: {  	[tilespmem:s29], [sflag:$0x5] =	stream.linear.gather [hbm4b:s19+s16], $0x50, $0x38;
	[tilespmem:$0x1E100] =	vst v63  }
0x87: {  	s20 =	simm.s32 $0x140  }
0x88: {  	[tilespmem:s30], [sflag:$0x2] =	stream.indirect.gather [hbm4b:s2+s28], $0x80, s20, s28, $0xb8;
	[tilespmem:$0x1E100] =	vst v63  }
0x89: {  	s17 =	simm.s32 $0x230  }
0x8a: {  	[spmem:s3] =	stream.indirect.scatter.add.f32 [tilespmem:s6], [sflag:$0x9], $0x80, s0, s28, $0xb8;
	[tilespmem:$0x1E100] =	vst v63  }
.LBB2_4:
0x8b: {  	_ =	swait.ge [sflag:s31], $0x50  }
0x8c: {  	[sflag:s31] =	ssyncset.done $0x0  }
0x8d: {  	[sflag:s31] =	ssyncadd.s32 $0xFFFFFFB0  }
0x8e: {  	_ =	swait.ge [sflag:s1], $0x2800  }
0x8f: {  	[sflag:s1] =	ssyncset.done $0x0  }
0x90: {  	[sflag:s1] =	ssyncadd.s32 $0xFFFFD800  }
0x91: {  	p0 =	seq.s32 s16, $0x4B0;
	_ =	swait.ge [sflag:s14], $0x2800  }
0x92: {  	s18 =	sadd.s32 @!p0 s16, s23;
	[sflag:s14] =	ssyncset.done $0x0  }
0x93: {  	s19 =	simm.s32 @!p0 $0x0;
	s20 =	simm.s32 @!p0 $0x2880;
	[sflag:s14] =	ssyncadd.s32 $0xFFFFD800  }
0x94: {  	[tilespmem:s20], [sflag:$0x6] =	stream.linear.gather @!p0 [hbm4b:s18+s19], $0x50, $0x38;
	[tilespmem:$0x1E100] =	vst v63  }
0x95: {  	s18 =	sadd.s32 @!p0 $0xFFFFFF60, s17;
	s19 =	simm.s32 @!p0 $0x50;
	s20 =	simm.s32 @!p0 $0x7900  }
0x96: {  	[tilespmem:s20], [sflag:$0x3] =	stream.indirect.gather @!p0 [hbm4b:s2+s19], $0x80, s18, s19, $0xb8;
	[tilespmem:$0x1E100] =	vst v63  }
0x97: {  	_ = 	snop  }
0x98: {  	[spmem:s3] =	stream.indirect.scatter.add.f32 [tilespmem:s24], [sflag:$0x7], $0x80, s26, s28, $0xb8;
	[tilespmem:$0x1E100] =	vst v63  }
0x99: {  	_ =	swait.ge [sflag:s7], $0x50  }
0x9a: {  	[sflag:s7] =	ssyncset.done $0x0  }
0x9b: {  	[sflag:s7] =	ssyncadd.s32 $0xFFFFFFB0  }
0x9c: {  	_ =	swait.ge [sflag:s9], $0x2800  }
.Ltmp3:
0x9d: {  	[sflag:s9] =	ssyncset.done $0x0;
	(pc) =	sbr.rel @p0 .LBB2_6-.Ltmp3, $4  }
0x9e: {  	[sflag:s9] =	ssyncadd.s32 $0xFFFFD800  }
0x9f: {  	_ =	swait.ge [sflag:s10], $0x2800  }
0xa0: {  	[sflag:s10] =	ssyncset.done $0x0  }
0xa1: {  	[sflag:s10] =	ssyncadd.s32 $0xFFFFD800  }
0xa2: {  	s18 =	sadd.s32 s16, s22  }
0xa3: {  	[tilespmem:s26], [sflag:$0x4] =	stream.linear.gather [hbm4b:s18+s4], $0x50, $0x38;
	[tilespmem:$0x1E100] =	vst v63  }
0xa4: {  	s19 =	sadd.s32 $0xFFFFFFB0, s17  }
0xa5: {  	[tilespmem:s24], [sflag:$0x1] =	stream.indirect.gather [hbm4b:s2+s28], $0x80, s19, s28, $0xb8;
	[tilespmem:$0x1E100] =	vst v63  }
0xa6: {  	_ = 	snop  }
0xa7: {  	[spmem:s3] =	stream.indirect.scatter.add.f32 [tilespmem:s30], [sflag:$0x8], $0x80, s29, s28, $0xb8;
	[tilespmem:$0x1E100] =	vst v63  }
0xa8: {  	_ =	swait.ge [sflag:s11], $0x50  }
0xa9: {  	[sflag:s11] =	ssyncset.done $0x0  }
0xaa: {  	[sflag:s11] =	ssyncadd.s32 $0xFFFFFFB0  }
0xab: {  	_ =	swait.ge [sflag:s12], $0x2800  }
0xac: {  	[sflag:s12] =	ssyncset.done $0x0  }
0xad: {  	[sflag:s12] =	ssyncadd.s32 $0xFFFFD800  }
0xae: {  	_ =	swait.ge [sflag:s13], $0x2800  }
0xaf: {  	[sflag:s13] =	ssyncset.done $0x0  }
0xb0: {  	s20 =	sadd.s32 s16, s21;
	[sflag:s13] =	ssyncadd.s32 $0xFFFFD800  }
0xb1: {  	[tilespmem:s29], [sflag:$0x5] =	stream.linear.gather [hbm4b:s20+s4], $0x50, $0x38;
	[tilespmem:$0x1E100] =	vst v63  }
.Ltmp4:
0xb2: {  	_ = 	snop;
	(pc) =	sbr.rel .LBB2_4-.Ltmp4, $4  }
0xb3: {  	_ = 	snop  }
0xb4: {  	[tilespmem:s30], [sflag:$0x2] =	stream.indirect.gather [hbm4b:s2+s28], $0x80, s17, s28, $0xb8;
	[tilespmem:$0x1E100] =	vst v63  }
0xb5: {  	s16 =	sadd.s32 $0x1E, s16;
	s17 =	sadd.s32 $0xF0, s17  }
0xb6: {  	[spmem:s3] =	stream.indirect.scatter.add.f32 [tilespmem:s6], [sflag:$0x9], $0x80, s0, s28, $0xb8;
	[tilespmem:$0x1E100] =	vst v63  }
.LBB2_7:
0xb7: {  	_ =	sfence.sel $0x180000  }
0xb8: {  	[bflag:$0x0] =	sbarrier.arrive $0xFFFF  }
0xb9: {  	_ =	strace $0x9000004A  }
0xba: {  	s0 =	stileid.u32;
	[bflag:$0x2] =	sbarrier.arrive $0xFFFF  }
0xbb: {  	p0 =	sne.s32 s0, $0x0;
	s0 =	rddreg [dreg:$0x3]  }
0xbc: {  	s0 =	sadd.s32 @!p0 $0x100000, s0  }
0xbd: {  	[sflag:s0] =	ssyncadd.tile.s32 @!p0 $0x1;
	_ =	shalt  }
.Lfunc_end2:
_tile_overlayer_lowered:
.L_overlay_start_2:
0xbe: {  	(tag) =	ssettag $0x2  }
0xbf: {  	s0 =	rddreg [dreg:$0x0];
	s2 =	stileid.u32  }
0xc0: {  	s1 =	rddreg [dreg:$0x1];
	p0 =	sne.s32 s2, $0x0  }
0xc1: {  	s3 =	rddreg [dreg:$0x2];
	[bflag:$0x3] =	sbarrier.arrive $0xFFFF;
	s2 =	simm.s32 @!p0 $0x1C0A  }
0xc2: {  	[timem:s3], [sflag:s2] =	dma.local @!p0 [hbm:s0], s1  }
0xc3: {  	s0 =	simm.s32 @!p0 $0xA  }
0xc4: {  	_ =	swait.ge @!p0 [sflag:s0], s1  }
0xc5: {  	s1 =	ssub.s32 @!p0 $0x0, s1;
	[sflag:s0] =	ssyncset.done @!p0 $0x0  }
0xc6: {  	[sflag:s0] =	ssyncadd.s32 @!p0 s1  }
0xc7: {  	[bflag:$0x3] =	sbarrier.arrive $0xFFFF  }
0xc8: {  	_ =	shalt  }

// kernel: kernel.14.cloned.1.call-start
scs
__scs_entry_jumppad:
0x0: {  	(pc) =	sbr.rel $0x88, $3  }
0x1: {  	(tag) =	ssettag $0x0;
	lr =	simm.s32 $0x1  }
0x2: {  	[smem:$0x3F95] =	sst lr;
	_ =	strace $0xD0000000  }
0x3: {  	_ = 	snop  }
0x4: {  	_ = 	snop  }
0x5: {  	_ = 	snop  }
0x6: {  	_ = 	snop  }
0x7: {  	_ = 	snop  }
__scs_overlays_trampoline_lowered:
0x8: {  	[smem:$0x3FA4] =	sst s0  }
0x9: {  	[smem:$0x3FA5] =	sst s1  }
0xa: {  	[smem:$0x3FA6] =	sst s2  }
0xb: {  	[smem:$0x3FA7] =	sst s3  }
0xc: {  	[smem:$0x3FA8] =	sst s4  }
0xd: {  	[smem:$0x3FA9] =	sst s5  }
0xe: {  	[smem:$0x3FAA] =	sst s6  }
0xf: {  	[smem:$0x3FAB] =	sst s7  }
0x10: {  	[smem:$0x3FAC] =	sst s8  }
0x11: {  	[smem:$0x3FAD] =	sst s9;
	s0 =	simm.s32 @!p0 $0x0  }
0x12: {  	s1 =	sld [smem:$0x3F93];
	s0 =	simm.s32 @p0 $0x1  }
0x13: {  	[smem:$0x3FAE] =	sst s0;
	s0 =	simm.s32 @!p1 $0x0  }
0x14: {  	s2 =	sld [smem:$0x3F92];
	s0 =	simm.s32 @p1 $0x1  }
0x15: {  	[smem:$0x3FAF] =	sst s0;
	s0 =	simm.s32 @!p2 $0x0  }
0x16: {  	s3 =	sld [smem:$0x3FDB];
	s0 =	simm.s32 @p2 $0x1  }
0x17: {  	s4 =	simm.s32 $0x1BF5;
	[smem:$0x3FB1] =	sst s0  }
0x18: {  	s0 =	sld [smem:$0x3F94];
	_ =	swait.ge [sflag:s4], $0x0  }
0x19: {  	s7 =	sld [smem:$0x3F95]  }
0x1a: {  	s8 =	sadd.s32 $0xFFFFE003, lr  }
0x1b: {  	s9 =	sadd.s32 $0xFFFFFEF7, lr;
	s5 =	simm.s32 $0xFFFFFFFF;
	p2 =	slt.u32 s8, $0xFFFFF086  }
0x1c: {  	p1 =	slt.u32 s9, $0xF7A;
	s5 =	simm.s32 @!p2 $0x0  }
0x1d: {  	s5 =	simm.s32 @p1 $0x1;
	p0 =	seq.s32 s7, s2  }
0x1e: {  	s7 =	smul.u32 @!p0 $0xF7A, s2;
	p2 =	seq.s32 @!p0 s5, $0x0  }
0x1f: {  	s9 =	smul.u32 $0xF7A, s1;
	s8 =	simm.s32 @!p0 $0x1BF5;
	p2 =	por !p2, p0  }
0x20: {  	[sflag:s8] =	ssyncset.s32 @!p0 $0xFFFFF086;
	s6 =	sadd.s32 @!p0 s3, s7;
	s7 =	simm.s32 @!p0 $0x108  }
0x21: {  	s3 =	sadd.s32 s3, s9;
	s6 =	sadd.s32 @!p0 $0x88, s6;
	s7 =	simm.s32 @p2 $0x1082  }
0x22: {  	[simem:s7], [sflag:s8] =	dma.local @!p0 [hbm:s6], $0xF7A  }
0x23: {  	s9 =	sor.u32 $0xD0000000, s2;
	s6 =	simm.s32 $0x108;
	_ =	swait.ge @!p0 [sflag:s8], $0x0  }
0x24: {  	s3 =	sadd.s32 $0x88, s3;
	s6 =	simm.s32 @!p1 $0x1082;
	[sflag:s4] =	ssyncset.s32 $0xFFFFF086  }
0x25: {  	[simem:s6], [sflag:s4] =	dma.local [hbm:s3], $0xF7A  }
0x26: {  	[smem:$0x3F95] =	sst s1;
	(tag) =	ssettag s2;
	_ =	strace s9  }
0x27: {  	s1 =	sld [smem:$0x3FA5]  }
0x28: {  	s2 =	sld [smem:$0x3FA6]  }
0x29: {  	s4 =	sld [smem:$0x3FA8]  }
0x2a: {  	p0 =	seq.s32 s5, $0x0;
	s5 =	sld [smem:$0x3FA9]  }
0x2b: {  	s6 =	sld [smem:$0x3FAA]  }
0x2c: {  	s7 =	sld [smem:$0x3FAB]  }
0x2d: {  	s3 =	simm.s32 $0x108;
	s8 =	sld [smem:$0x3FAC]  }
0x2e: {  	s3 =	simm.s32 @!p0 $0x1082;
	s9 =	sld [smem:$0x3FAD]  }
0x2f: {  	lr =	sadd.s32 s0, s3;
	s0 =	sld [smem:$0x3FA4]  }
0x30: {  	s3 =	sld [smem:$0x3FA7]  }
0x31: {  	[smem:$0x3FB0] =	sst s10  }
0x32: {  	s10 =	sld [smem:$0x3FAE];
	_ =	sdelay $0x3  }
0x33: {  	p0 =	seq.s32 s10, $0x1;
	s10 =	sld [smem:$0x3FB0];
	_ =	sdelay $0x3  }
0x34: {  	[smem:$0x3FB0] =	sst s10  }
0x35: {  	s10 =	sld [smem:$0x3FAF];
	_ =	sdelay $0x3  }
0x36: {  	p1 =	seq.s32 s10, $0x1;
	s10 =	sld [smem:$0x3FB0];
	_ =	sdelay $0x3  }
0x37: {  	[smem:$0x3FB0] =	sst s10  }
0x38: {  	s10 =	sld [smem:$0x3FB1]  }
0x39: {  	_ = 	snop;
	(pc) =	sbr.ind lr, $3  }
0x3a: {  	_ = 	snop  }
0x3b: {  	_ = 	snop  }
0x3c: {  	p2 =	seq.s32 s10, $0x1;
	s10 =	sld [smem:$0x3FB0]  }
0x3d: {  	_ =	shalt  }
0x3e: {  	_ =	shalt  }
0x3f: {  	_ =	shalt  }
0x40: {  	_ =	shalt  }
0x41: {  	_ =	shalt  }
0x42: {  	_ =	shalt  }
0x43: {  	_ =	shalt  }
0x44: {  	_ =	shalt  }
0x45: {  	_ =	shalt  }
0x46: {  	_ =	shalt  }
0x47: {  	_ =	shalt  }
0x48: {  	_ =	shalt  }
0x49: {  	_ =	shalt  }
0x4a: {  	_ =	shalt  }
0x4b: {  	_ =	shalt  }
0x4c: {  	_ =	shalt  }
0x4d: {  	_ =	shalt  }
0x4e: {  	_ =	shalt  }
0x4f: {  	_ =	shalt  }
0x50: {  	_ =	shalt  }
0x51: {  	_ =	shalt  }
0x52: {  	_ =	shalt  }
0x53: {  	_ =	shalt  }
0x54: {  	_ =	shalt  }
0x55: {  	_ =	shalt  }
0x56: {  	_ =	shalt  }
0x57: {  	_ =	shalt  }
0x58: {  	_ =	shalt  }
0x59: {  	_ =	shalt  }
0x5a: {  	_ =	shalt  }
0x5b: {  	_ =	shalt  }
0x5c: {  	_ =	shalt  }
0x5d: {  	_ =	shalt  }
0x5e: {  	_ =	shalt  }
0x5f: {  	_ =	shalt  }
0x60: {  	_ =	shalt  }
0x61: {  	_ =	shalt  }
0x62: {  	_ =	shalt  }
0x63: {  	_ =	shalt  }
0x64: {  	_ =	shalt  }
0x65: {  	_ =	shalt  }
0x66: {  	_ =	shalt  }
0x67: {  	_ =	shalt  }
0x68: {  	_ =	shalt  }
0x69: {  	_ =	shalt  }
0x6a: {  	_ =	shalt  }
0x6b: {  	_ =	shalt  }
0x6c: {  	_ =	shalt  }
0x6d: {  	_ =	shalt  }
0x6e: {  	_ =	shalt  }
0x6f: {  	_ =	shalt  }
0x70: {  	_ =	shalt  }
0x71: {  	_ =	shalt  }
0x72: {  	_ =	shalt  }
0x73: {  	_ =	shalt  }
0x74: {  	_ =	shalt  }
0x75: {  	_ =	shalt  }
0x76: {  	_ =	shalt  }
0x77: {  	_ =	shalt  }
0x78: {  	_ =	shalt  }
0x79: {  	_ =	shalt  }
0x7a: {  	_ =	shalt  }
0x7b: {  	_ =	shalt  }
0x7c: {  	_ =	shalt  }
0x7d: {  	_ =	shalt  }
0x7e: {  	_ =	shalt  }
0x7f: {  	_ =	shalt  }
0x80: {  	_ =	shalt  }
0x81: {  	_ =	shalt  }
0x82: {  	_ =	shalt  }
0x83: {  	_ =	shalt  }
0x84: {  	_ =	shalt  }
0x85: {  	_ =	shalt  }
0x86: {  	_ =	shalt  }
0x87: {  	_ =	shalt  }
.Lfunc_end0:
.L_simem_size_0:
called_computation.2_lowered:
.L_overlay_start_0:
0x88: {  	s2 =	sld [smem:$0x3FD9]  }
0x89: {  	s3 =	sld [smem:$0x3FFE];
	_ =	sdelay $0x1  }
0x8a: {  	s1 =	srdreg.scid  }
0x8b: {  	s0 =	sand.u32 $0x1, s1  }
0x8c: {  	s17 =	sshll.u32 s0, $0xA;
	s2 =	sadd.s32 s3, s2  }
0x8d: {  	s2 =	sadd.s32 s2, s17  }
0x8e: {  	[smem:$0x3FBC] =	sst s2  }
0x8f: {  	_ = 	snop  }
0x90: {  	s2 =	sld [smem:$0x3FD0];
	(tm) =	ssettm $0x1  }
0x91: {  	s18 =	sld [smem:$0x3FFB];
	_ =	sdelay $0x3  }
0x92: {  	_ =	strace s18  }
0x93: {  	s3 =	sld [smem:$0x3FFC];
	_ =	sdelay $0x3  }
0x94: {  	_ =	strace s3  }
0x95: {  	s3 =	sld [smem:$0x3FFD];
	_ =	sdelay $0x3  }
0x96: {  	_ =	strace s3  }
0x97: {  	_ =	strace $0x8FFFFFFF  }
0x98: {  	s19 =	sld [smem:$0x3FDB];
	_ =	sdelay $0x1  }
0x99: {  	s4 =	simm.s32 $_scs_section_size  }
0x9a: {  	s5 =	simm.s32 $_size__tile_overlayer_lowered;
	s6 =	simm.s32 $_tile_overlayer_lowered  }
0x9b: {  	s22 =	simm.s32 $0x1BFF;
	s21 =	sshll.u32 s6, $0x1;
	s3 =	sadd.s32 s4, s19  }
0x9c: {  	s7 =	simm.s32 $0x0;
	s20 =	sshll.u32 s5, $0x1;
	s5 =	sadd.s32 s21, s3  }
0x9d: {  	[timem:s7], [sflag:s22] =	dma.local [hbm:s5], s20  }
0x9e: {  	_ =	swait.ge [sflag:s22], s20  }
0x9f: {  	s4 =	ssub.s32 $0x0, s20;
	[sflag:s22] =	ssyncset.done $0x0  }
0xa0: {  	[sflag:s22] =	ssyncadd.s32 s4;
	_ =	sdelay $0x1  }
0xa1: {  	s23 =	simm.s32 $0x1B8B  }
0xa2: {  	_ =	swait.ge [sflag:s23], $0x1  }
0xa3: {  	[sflag:s23] =	ssyncset.done $0x0  }
0xa4: {  	s25 =	simm.s32 $0x1B8E;
	s24 =	sld [smem:$0x3FFE];
	[sflag:s23] =	ssyncadd.s32 $0xFFFFFFFF  }
0xa5: {  	s26 =	simm.s32 $execute0_lowered;
	[smem:$0x3FD2] =	sst s25  }
0xa6: {  	s5 =	sshll.u32 s26, $0x1;
	_ =	strace $0x8000004C;
	[dreg:$0x1] =	wrdreg $0xFFFFFFFF  }
0xa7: {  	s28 =	simm.s32 $_size_execute0_lowered;
	s3 =	sadd.s32 s3, s5;
	[dreg:$0x0] =	wrdreg $0x0  }
0xa8: {  	s5 =	sshll.u32 s28, $0x1;
	[dreg:$0x2] =	wrdreg s3  }
0xa9: {  	[dreg:$0x3] =	wrdreg s5  }
0xaa: {  	[dreg:$0x4] =	wrdreg $0xC0  }
0xab: {  	_ =	task [dreg:s7], $0x5FFFF  }
0xac: {  	[dreg:$0x1] =	wrdreg $0xFFFFFFFF  }
0xad: {  	[dreg:$0x0] =	wrdreg $0x60  }
0xae: {  	[dreg:$0x2] =	wrdreg s2  }
0xaf: {  	[dreg:$0x3] =	wrdreg s24  }
0xb0: {  	[dreg:$0x4] =	wrdreg $0xA1000  }
0xb1: {  	[dreg:$0x5] =	wrdreg $0x9  }
0xb2: {  	_ =	task.clear_ibuf [dreg:s7], $0x6FFFF;
	_ =	strace $0x9000004C  }
0xb3: {  	s29 =	simm.s32 $0x9;
	_ =	strace $0x8000004E  }
0xb4: {  	_ =	swait.ge [sflag:s29], $0x1  }
0xb5: {  	[sflag:s29] =	ssyncadd.s32 $0xFFFFFFFF  }
0xb6: {  	_ =	strace $0x9000004E  }
0xb7: {  	_ =	sfence  }
0xb8: {  	s30 =	sld [smem:$0x0];
	_ =	sdelay $0x2  }
0xb9: {  	s31 =	sshll.u32 s1, $0xD;
	s1 =	sshrl.u32 s1, $0x2  }
0xba: {  	s3 =	sand.u32 $0x4000, s31;
	s1 =	sadd.s32 s1, s30  }
0xbb: {  	s0 =	sor.u32 s3, s0;
	s1 =	sshll.u32 s1, $0x11  }
0xbc: {  	s0 =	sor.u32 s1, s0  }
0xbd: {  	s0 =	sadd.s32 $0x8F2B, s0  }
0xbe: {  	[sflag:s0] =	ssyncadd.remote.s32 $0x1  }
0xbf: {  	_ =	sfence.sel $0xFFFF  }
0xc0: {  	[dreg:$0x0] =	wrdreg $0xFFFFFFFF;
	(pc) =	sbr.abs _section_cstart, $3  }
0xc1: {  	[dreg:$0x1] =	wrdreg $0xFFFFFFFF  }
0xc2: {  	_ =	task.clear_ibuf [dreg:s7], $0x2FFFF;
	_ =	strace $0x9FFFFFFF  }
0xc3: {  	(tm) =	ssettm $0x7FFFFFFF  }
tec
execute0_lowered:
.L_overlay_start_1:
0x0: {  	(tag) =	ssettag $0x1  }
0x1: {  	s2 =	rddreg [dreg:$0x0]  }
0x2: {  	s0 =	srdreg.scid;
	s5 =	rddreg [dreg:$0x1]  }
0x3: {  	s11 =	stileid.u32;
	s3 =	rddreg [dreg:$0x2]  }
0x4: {  	s4 =	simm.s32 $0x0;
	s28 =	simm.s32 $0x50;
	s29 =	simm.s32 $0x2800  }
0x5: {  	s30 =	simm.s32 $0x5100;
	s31 =	simm.s32 $0x4;
	s7 =	smul.u32 $0x14000, s11  }
0x6: {  	s0 =	sand.u32 $0x1, s0;
	s1 =	sshll.u32 s11, $0x1;
	s9 =	smul.u32 $0x50000, s11  }
0x7: {  	[smem:$0x7FF] =	sst s4;
	s10 =	sadd.s32 $0xD000, s5;
	s18 =	smul.u32 $0x4E20, s11  }
0x8: {  	s11 =	simm.s32 $0x6;
	s1 =	sor.u32 s0, s1;
	s6 =	smul.u32 $0x140000, s0  }
0x9: {  	_ =	strace $0x8000004D;
	s25 =	ssub.s32 $0x2, s0;
	s0 =	smul.u32 $0x2710, s0  }
0xa: {  	s1 =	smul.u32 $0x2710, s1;
	s26 =	sshrl.u32 s25, $0x1;
	s9 =	sshrl.u32 s9, $0x2  }
0xb: {  	s6 =	sadd.s32 s7, s6;
	s7 =	ssub.s32 s25, s26;
	s0 =	sadd.s32 s0, s18  }
0xc: {  	s1 =	sshrl.u32 s1, $0x3;
	s6 =	sshrl.u32 s6, $0x3;
	s14 =	smax.u32 s7, $0x1  }
0xd: {  	s26 =	sadd.s32 $0x1E0, s0;
	s7 =	simm.s32 $0x5;
	s8 =	sadd.s32 s1, s5  }
0xe: {  	s6 =	sadd.s32 s6, s5;
	s5 =	sadd.s32 s10, s1;
	[dreg:$0x7] =	wrdreg s14  }
0xf: {  	s1 =	sadd.s32 $0x230, s0;
	s0 =	sadd.s32 $0x190, s0;
	s8 =	sadd.s32 $0x3200, s8  }
0x10: {  	s14 =	simm.s32 $0x9;
	s12 =	sadd.s32 $0xA, s5;
	[dreg:$0x4] =	wrdreg s8  }
0x11: {  	s13 =	sadd.s32 $0x16E00, s6;
	s23 =	sadd.s32 $0x14, s5;
	[dreg:$0x5] =	wrdreg s12  }
0x12: {  	s24 =	sadd.s32 $0x1E, s5;
	s25 =	sadd.s32 $0x28, s5;
	[dreg:$0x6] =	wrdreg s13  }
0x13: {  	s1 =	sshrl.u32 s1, $0x3;
	s6 =	sshrl.u32 s26, $0x3;
	[dreg:$0xf] =	wrdreg s23  }
0x14: {  	s0 =	sshrl.u32 s0, $0x3;
	s8 =	sadd.s32 s9, s3;
	[dreg:$0x10] =	wrdreg s24  }
0x15: {  	s26 =	simm.s32 $0x2780;
	[dreg:$0x11] =	wrdreg s25;
	s15 =	sadd.s32 $0x2800, s8  }
0x16: {  	s23 =	sadd.s32 s0, s10;
	s16 =	sadd.s32 $0x5000, s8;
	[dreg:$0x8] =	wrdreg s15  }
0x17: {  	s24 =	simm.s32 $0x2900;
	s17 =	sadd.s32 $0x7800, s8;
	[dreg:$0x9] =	wrdreg s16  }
0x18: {  	s25 =	simm.s32 $0xA;
	s19 =	sadd.s32 $0xA000, s8;
	[dreg:$0xa] =	wrdreg s17  }
0x19: {  	s0 =	simm.s32 $0x2880;
	s20 =	sadd.s32 $0xC800, s8;
	[dreg:$0xb] =	wrdreg s19  }
.Ltmp0:
0x1a: {  	s21 =	sadd.s32 $0xF000, s8;
	[dreg:$0xc] =	wrdreg s20;
	(pc) =	sbr.rel .LBB2_1-.Ltmp0, $4  }
0x1b: {  	s9 =	simm.s32 $0x2;
	s22 =	sadd.s32 $0x11800, s8;
	[dreg:$0xd] =	wrdreg s21  }
0x1c: {  	s12 =	simm.s32 $0x3;
	s13 =	simm.s32 $0x8;
	[dreg:$0xe] =	wrdreg s22  }
0x1d: {  	s21 =	sadd.s32 s1, s10;
	s22 =	sadd.s32 s6, s10;
	s1 =	simm.s32 $0x1  }
0x1e: {  	v0 =	vimm.f32 $0.0e+00;
	s6 =	simm.s32 $0x7900;
	s10 =	simm.s32 $0x7;
	s15 =	simm.s32 $0x0  }
.LBB2_6:
0x1f: {  	[spmem:s3] =	stream.indirect.scatter.add.f32 [tilespmem:s30], [sflag:$0x8], $0x80, s29, s28, $0xb8;
	[tilespmem:$0x1E100] =	vst v63  }
0x20: {  	_ =	swait.ge [sflag:s13], $0x2800  }
0x21: {  	[sflag:s13] =	ssyncset.done $0x0  }
0x22: {  	s16 =	stileid.u32;
	[sflag:s13] =	ssyncadd.s32 $0xFFFFD800  }
0x23: {  	s16 =	sshll.u32 s16, $0x6;
	[bflag:$0x0] =	sbarrier.arrive $0xFFFF  }
0x24: {  	s17 =	sshrl.u32 s8, $0x3;
	s16 =	sor.u32 $0x1C0A, s16;
	s18 =	rddreg [dreg:$0x6]  }
0x25: {  	[hbm:s18], [sflag:s16] =	dma.local [spmem:s17], $0x2800  }
0x26: {  	_ =	swait.ge [sflag:s25], $0x2800  }
0x27: {  	s15 =	sadd.s32 $0x1, s15;
	s20 =	rddreg [dreg:$0x7]  }
0x28: {  	p0 =	sne.s32 s15, s20  }
.Ltmp1:
0x29: {  	_ = 	snop;
	(pc) =	sbr.rel @!p0 .LBB2_7-.Ltmp1, $3  }
0x2a: {  	_ =	sdelay $0x1  }
0x2b: {  	[sflag:s25] =	ssyncset.done $0x0  }
0x2c: {  	[sflag:s25] =	ssyncadd.s32 $0xFFFFD800  }
.LBB2_1:
0x2d: {  	s16 =	sand.u32 $0xFE00, s4  }
0x2e: {  	s17 =	sand.u32 $0x70, s4;
	s18 =	sshrl.u32 s16, $0x2  }
0x2f: {  	s16 =	simm.s32 $0x40;
	s18 =	sor.u32 s17, s18;
	s17 =	simm.s32 $0x0  }
.LBB2_2:
0x30: {  	p0 =	sne.s32 s16, $0x9FC0  }
0x31: {  	[tilespmem:s18+$0x2900] =	vst v0;
	s17 =	sadd.s32 $0x10, s17;
	s18 =	smov.u32 s16;
	s16 =	sadd.s32 $0x40, s16  }
.Ltmp2:
0x32: {  	(pc) =	sbr.rel @p0 .LBB2_2-.Ltmp2, $4  }
0x33: {  	_ = 	snop  }
0x34: {  	s18 =	sand.u32 $0xFE00, s18  }
0x35: {  	s19 =	sand.u32 $0x70, s17;
	s18 =	sshrl.u32 s18, $0x2  }
0x36: {  	s18 =	sor.u32 s19, s18  }
0x37: {  	[tilespmem:s18+$0x2900] =	vst v0  }
0x38: {  	[spmem:s8] =	stream.linear.scatter [tilespmem:s24], [sflag:$0xA], $0x2800, $0x38;
	[tilespmem:$0x1E100] =	vst v63  }
0x39: {  	_ =	swait.ge [sflag:s25], $0x2800  }
0x3a: {  	[sflag:s25] =	ssyncset.done $0x0  }
0x3b: {  	s16 =	rddreg [dreg:$0x8];
	[sflag:s25] =	ssyncadd.s32 $0xFFFFD800  }
0x3c: {  	[spmem:s16] =	stream.linear.scatter [tilespmem:s24], [sflag:$0xA], $0x2800, $0x38;
	[tilespmem:$0x1E100] =	vst v63  }
0x3d: {  	_ =	swait.ge [sflag:s25], $0x2800  }
0x3e: {  	[sflag:s25] =	ssyncset.done $0x0  }
0x3f: {  	s18 =	rddreg [dreg:$0x9];
	[sflag:s25] =	ssyncadd.s32 $0xFFFFD800  }
0x40: {  	[spmem:s18] =	stream.linear.scatter [tilespmem:s24], [sflag:$0xA], $0x2800, $0x38;
	[tilespmem:$0x1E100] =	vst v63  }
0x41: {  	_ =	swait.ge [sflag:s25], $0x2800  }
0x42: {  	[sflag:s25] =	ssyncset.done $0x0  }
0x43: {  	s19 =	rddreg [dreg:$0xa];
	[sflag:s25] =	ssyncadd.s32 $0xFFFFD800  }
0x44: {  	[spmem:s19] =	stream.linear.scatter [tilespmem:s24], [sflag:$0xA], $0x2800, $0x38;
	[tilespmem:$0x1E100] =	vst v63  }
0x45: {  	_ =	swait.ge [sflag:s25], $0x2800  }
0x46: {  	[sflag:s25] =	ssyncset.done $0x0  }
0x47: {  	s20 =	rddreg [dreg:$0xb];
	[sflag:s25] =	ssyncadd.s32 $0xFFFFD800  }
0x48: {  	[spmem:s20] =	stream.linear.scatter [tilespmem:s24], [sflag:$0xA], $0x2800, $0x38;
	[tilespmem:$0x1E100] =	vst v63  }
0x49: {  	_ =	swait.ge [sflag:s25], $0x2800  }
0x4a: {  	[sflag:s25] =	ssyncset.done $0x0  }
0x4b: {  	s17 =	rddreg [dreg:$0xc];
	[sflag:s25] =	ssyncadd.s32 $0xFFFFD800  }
0x4c: {  	[spmem:s17] =	stream.linear.scatter [tilespmem:s24], [sflag:$0xA], $0x2800, $0x38;
	[tilespmem:$0x1E100] =	vst v63  }
0x4d: {  	_ =	swait.ge [sflag:s25], $0x2800  }
0x4e: {  	[sflag:s25] =	ssyncset.done $0x0  }
0x4f: {  	s18 =	rddreg [dreg:$0xd];
	[sflag:s25] =	ssyncadd.s32 $0xFFFFD800  }
0x50: {  	[spmem:s18] =	stream.linear.scatter [tilespmem:s24], [sflag:$0xA], $0x2800, $0x38;
	[tilespmem:$0x1E100] =	vst v63  }
0x51: {  	_ =	swait.ge [sflag:s25], $0x2800  }
0x52: {  	[sflag:s25] =	ssyncset.done $0x0  }
0x53: {  	s19 =	rddreg [dreg:$0xe];
	[sflag:s25] =	ssyncadd.s32 $0xFFFFD800  }
0x54: {  	[spmem:s19] =	stream.linear.scatter [tilespmem:s24], [sflag:$0xA], $0x2800, $0x38;
	[tilespmem:$0x1E100] =	vst v63  }
0x55: {  	_ =	swait.ge [sflag:s25], $0x2800  }
0x56: {  	[sflag:s25] =	ssyncset.done $0x0  }
0x57: {  	s16 =	simm.s32 $0x0;
	s17 =	rddreg [dreg:$0x4];
	[sflag:s25] =	ssyncadd.s32 $0xFFFFD800  }
0x58: {  	[tilespmem:s16], [sflag:$0xA] =	stream.linear.gather [hbm4b:s17+s16], $0x2710, $0x38;
	[tilespmem:$0x1E100] =	vst v63  }
0x59: {  	_ =	swait.ge [sflag:s25], $0x2710  }
0x5a: {  	[sflag:s25] =	ssyncset.done $0x0  }
0x5b: {  	[sflag:s25] =	ssyncadd.s32 $0xFFFFD8F0  }
0x5c: {  	[bflag:$0x0] =	sbarrier.arrive $0xFFFF  }
0x5d: {  	[tilespmem:s26], [sflag:$0x4] =	stream.linear.gather [hbm4b:s5+s16], $0x50, $0x38;
	[tilespmem:$0x1E100] =	vst v63  }
0x5e: {  	_ = 	snop  }
0x5f: {  	[tilespmem:s24], [sflag:$0x1] =	stream.indirect.gather [hbm4b:s2+s28], $0x80, s16, s28, $0xb8;
	[tilespmem:$0x1E100] =	vst v63  }
0x60: {  	s20 =	rddreg [dreg:$0x5]  }
0x61: {  	[tilespmem:s29], [sflag:$0x5] =	stream.linear.gather [hbm4b:s20+s16], $0x50, $0x38;
	[tilespmem:$0x1E100] =	vst v63  }
0x62: {  	_ = 	snop  }
0x63: {  	[tilespmem:s30], [sflag:$0x2] =	stream.indirect.gather [hbm4b:s2+s28], $0x80, s28, s28, $0xb8;
	[tilespmem:$0x1E100] =	vst v63  }
0x64: {  	_ =	swait.ge [sflag:s31], $0x50  }
0x65: {  	[sflag:s31] =	ssyncset.done $0x0  }
0x66: {  	[sflag:s31] =	ssyncadd.s32 $0xFFFFFFB0  }
0x67: {  	_ =	swait.ge [sflag:s1], $0x2800  }
0x68: {  	[sflag:s1] =	ssyncset.done $0x0  }
0x69: {  	s18 =	rddreg [dreg:$0xf];
	[sflag:s1] =	ssyncadd.s32 $0xFFFFD800  }
0x6a: {  	[tilespmem:s0], [sflag:$0x6] =	stream.linear.gather [hbm4b:s18+s16], $0x50, $0x38;
	[tilespmem:$0x1E100] =	vst v63  }
0x6b: {  	s19 =	simm.s32 $0xA0  }
0x6c: {  	[tilespmem:s6], [sflag:$0x3] =	stream.indirect.gather [hbm4b:s2+s28], $0x80, s19, s28, $0xb8;
	[tilespmem:$0x1E100] =	vst v63  }
0x6d: {  	_ = 	snop  }
0x6e: {  	[spmem:s3] =	stream.indirect.scatter.add.f32 [tilespmem:s24], [sflag:$0x7], $0x80, s26, s28, $0xb8;
	[tilespmem:$0x1E100] =	vst v63  }
0x6f: {  	_ =	swait.ge [sflag:s7], $0x50  }
0x70: {  	[sflag:s7] =	ssyncset.done $0x0  }
0x71: {  	[sflag:s7] =	ssyncadd.s32 $0xFFFFFFB0  }
0x72: {  	_ =	swait.ge [sflag:s9], $0x2800  }
0x73: {  	[sflag:s9] =	ssyncset.done $0x0  }
0x74: {  	[sflag:s9] =	ssyncadd.s32 $0xFFFFD800  }
0x75: {  	_ =	swait.ge [sflag:s10], $0x2800  }
0x76: {  	[sflag:s10] =	ssyncset.done $0x0  }
0x77: {  	s20 =	rddreg [dreg:$0x10];
	[sflag:s10] =	ssyncadd.s32 $0xFFFFD800  }
0x78: {  	[tilespmem:s26], [sflag:$0x4] =	stream.linear.gather [hbm4b:s20+s16], $0x50, $0x38;
	[tilespmem:$0x1E100] =	vst v63  }
0x79: {  	s18 =	simm.s32 $0xF0  }
0x7a: {  	[tilespmem:s24], [sflag:$0x1] =	stream.indirect.gather [hbm4b:s2+s28], $0x80, s18, s28, $0xb8;
	[tilespmem:$0x1E100] =	vst v63  }
0x7b: {  	_ = 	snop  }
0x7c: {  	[spmem:s3] =	stream.indirect.scatter.add.f32 [tilespmem:s30], [sflag:$0x8], $0x80, s29, s28, $0xb8;
	[tilespmem:$0x1E100] =	vst v63  }
0x7d: {  	_ =	swait.ge [sflag:s11], $0x50  }
0x7e: {  	[sflag:s11] =	ssyncset.done $0x0  }
0x7f: {  	[sflag:s11] =	ssyncadd.s32 $0xFFFFFFB0  }
0x80: {  	_ =	swait.ge [sflag:s12], $0x2800  }
0x81: {  	[sflag:s12] =	ssyncset.done $0x0  }
0x82: {  	[sflag:s12] =	ssyncadd.s32 $0xFFFFD800  }
0x83: {  	_ =	swait.ge [sflag:s13], $0x2800  }
0x84: {  	[sflag:s13] =	ssyncset.done $0x0  }
0x85: {  	s19 =	rddreg [dreg:$0x11];
	[sflag:s13] =	ssyncadd.s32 $0xFFFFD800  }
0x86: {  	[tilespmem:s29], [sflag:$0x5] =	stream.linear.gather [hbm4b:s19+s16], $0x50, $0x38;
	[tilespmem:$0x1E100] =	vst v63  }
0x87: {  	s20 =	simm.s32 $0x140  }
0x88: {  	[tilespmem:s30], [sflag:$0x2] =	stream.indirect.gather [hbm4b:s2+s28], $0x80, s20, s28, $0xb8;
	[tilespmem:$0x1E100] =	vst v63  }
0x89: {  	s17 =	simm.s32 $0x230  }
0x8a: {  	[spmem:s3] =	stream.indirect.scatter.add.f32 [tilespmem:s6], [sflag:$0x9], $0x80, s0, s28, $0xb8;
	[tilespmem:$0x1E100] =	vst v63  }
.LBB2_4:
0x8b: {  	_ =	swait.ge [sflag:s31], $0x50  }
0x8c: {  	[sflag:s31] =	ssyncset.done $0x0  }
0x8d: {  	[sflag:s31] =	ssyncadd.s32 $0xFFFFFFB0  }
0x8e: {  	_ =	swait.ge [sflag:s1], $0x2800  }
0x8f: {  	[sflag:s1] =	ssyncset.done $0x0  }
0x90: {  	[sflag:s1] =	ssyncadd.s32 $0xFFFFD800  }
0x91: {  	p0 =	seq.s32 s16, $0x4B0;
	_ =	swait.ge [sflag:s14], $0x2800  }
0x92: {  	s18 =	sadd.s32 @!p0 s16, s23;
	[sflag:s14] =	ssyncset.done $0x0  }
0x93: {  	s19 =	simm.s32 @!p0 $0x0;
	s20 =	simm.s32 @!p0 $0x2880;
	[sflag:s14] =	ssyncadd.s32 $0xFFFFD800  }
0x94: {  	[tilespmem:s20], [sflag:$0x6] =	stream.linear.gather @!p0 [hbm4b:s18+s19], $0x50, $0x38;
	[tilespmem:$0x1E100] =	vst v63  }
0x95: {  	s18 =	sadd.s32 @!p0 $0xFFFFFF60, s17;
	s19 =	simm.s32 @!p0 $0x50;
	s20 =	simm.s32 @!p0 $0x7900  }
0x96: {  	[tilespmem:s20], [sflag:$0x3] =	stream.indirect.gather @!p0 [hbm4b:s2+s19], $0x80, s18, s19, $0xb8;
	[tilespmem:$0x1E100] =	vst v63  }
0x97: {  	_ = 	snop  }
0x98: {  	[spmem:s3] =	stream.indirect.scatter.add.f32 [tilespmem:s24], [sflag:$0x7], $0x80, s26, s28, $0xb8;
	[tilespmem:$0x1E100] =	vst v63  }
0x99: {  	_ =	swait.ge [sflag:s7], $0x50  }
0x9a: {  	[sflag:s7] =	ssyncset.done $0x0  }
0x9b: {  	[sflag:s7] =	ssyncadd.s32 $0xFFFFFFB0  }
0x9c: {  	_ =	swait.ge [sflag:s9], $0x2800  }
.Ltmp3:
0x9d: {  	[sflag:s9] =	ssyncset.done $0x0;
	(pc) =	sbr.rel @p0 .LBB2_6-.Ltmp3, $4  }
0x9e: {  	[sflag:s9] =	ssyncadd.s32 $0xFFFFD800  }
0x9f: {  	_ =	swait.ge [sflag:s10], $0x2800  }
0xa0: {  	[sflag:s10] =	ssyncset.done $0x0  }
0xa1: {  	[sflag:s10] =	ssyncadd.s32 $0xFFFFD800  }
0xa2: {  	s18 =	sadd.s32 s16, s22  }
0xa3: {  	[tilespmem:s26], [sflag:$0x4] =	stream.linear.gather [hbm4b:s18+s4], $0x50, $0x38;
	[tilespmem:$0x1E100] =	vst v63  }
0xa4: {  	s19 =	sadd.s32 $0xFFFFFFB0, s17  }
0xa5: {  	[tilespmem:s24], [sflag:$0x1] =	stream.indirect.gather [hbm4b:s2+s28], $0x80, s19, s28, $0xb8;
	[tilespmem:$0x1E100] =	vst v63  }
0xa6: {  	_ = 	snop  }
0xa7: {  	[spmem:s3] =	stream.indirect.scatter.add.f32 [tilespmem:s30], [sflag:$0x8], $0x80, s29, s28, $0xb8;
	[tilespmem:$0x1E100] =	vst v63  }
0xa8: {  	_ =	swait.ge [sflag:s11], $0x50  }
0xa9: {  	[sflag:s11] =	ssyncset.done $0x0  }
0xaa: {  	[sflag:s11] =	ssyncadd.s32 $0xFFFFFFB0  }
0xab: {  	_ =	swait.ge [sflag:s12], $0x2800  }
0xac: {  	[sflag:s12] =	ssyncset.done $0x0  }
0xad: {  	[sflag:s12] =	ssyncadd.s32 $0xFFFFD800  }
0xae: {  	_ =	swait.ge [sflag:s13], $0x2800  }
0xaf: {  	[sflag:s13] =	ssyncset.done $0x0  }
0xb0: {  	s20 =	sadd.s32 s16, s21;
	[sflag:s13] =	ssyncadd.s32 $0xFFFFD800  }
0xb1: {  	[tilespmem:s29], [sflag:$0x5] =	stream.linear.gather [hbm4b:s20+s4], $0x50, $0x38;
	[tilespmem:$0x1E100] =	vst v63  }
.Ltmp4:
0xb2: {  	_ = 	snop;
	(pc) =	sbr.rel .LBB2_4-.Ltmp4, $4  }
0xb3: {  	_ = 	snop  }
0xb4: {  	[tilespmem:s30], [sflag:$0x2] =	stream.indirect.gather [hbm4b:s2+s28], $0x80, s17, s28, $0xb8;
	[tilespmem:$0x1E100] =	vst v63  }
0xb5: {  	s16 =	sadd.s32 $0x1E, s16;
	s17 =	sadd.s32 $0xF0, s17  }
0xb6: {  	[spmem:s3] =	stream.indirect.scatter.add.f32 [tilespmem:s6], [sflag:$0x9], $0x80, s0, s28, $0xb8;
	[tilespmem:$0x1E100] =	vst v63  }
.LBB2_7:
0xb7: {  	_ =	sfence.sel $0x180000  }
0xb8: {  	[bflag:$0x0] =	sbarrier.arrive $0xFFFF  }
0xb9: {  	_ =	strace $0x9000004D  }
0xba: {  	s0 =	stileid.u32;
	[bflag:$0x2] =	sbarrier.arrive $0xFFFF  }
0xbb: {  	p0 =	sne.s32 s0, $0x0;
	s0 =	rddreg [dreg:$0x3]  }
0xbc: {  	s0 =	sadd.s32 @!p0 $0x100000, s0  }
0xbd: {  	[sflag:s0] =	ssyncadd.tile.s32 @!p0 $0x1;
	_ =	shalt  }
.Lfunc_end2:
_tile_overlayer_lowered:
.L_overlay_start_2:
0xbe: {  	(tag) =	ssettag $0x2  }
0xbf: {  	s0 =	rddreg [dreg:$0x0];
	s2 =	stileid.u32  }
0xc0: {  	s1 =	rddreg [dreg:$0x1];
	p0 =	sne.s32 s2, $0x0  }
0xc1: {  	s3 =	rddreg [dreg:$0x2];
	[bflag:$0x3] =	sbarrier.arrive $0xFFFF;
	s2 =	simm.s32 @!p0 $0x1C0A  }
0xc2: {  	[timem:s3], [sflag:s2] =	dma.local @!p0 [hbm:s0], s1  }
0xc3: {  	s0 =	simm.s32 @!p0 $0xA  }
0xc4: {  	_ =	swait.ge @!p0 [sflag:s0], s1  }
0xc5: {  	s1 =	ssub.s32 @!p0 $0x0, s1;
	[sflag:s0] =	ssyncset.done @!p0 $0x0  }
0xc6: {  	[sflag:s0] =	ssyncadd.s32 @!p0 s1  }
0xc7: {  	[bflag:$0x3] =	sbarrier.arrive $0xFFFF  }
0xc8: {  	_ =	shalt  }

// kernel: kernel.8.cloned.1.call-start
scs
__scs_entry_jumppad:
0x0: {  	(pc) =	sbr.rel $0x88, $3  }
0x1: {  	(tag) =	ssettag $0x0;
	lr =	simm.s32 $0x1  }
0x2: {  	[smem:$0x3F95] =	sst lr;
	_ =	strace $0xD0000000  }
0x3: {  	_ = 	snop  }
0x4: {  	_ = 	snop  }
0x5: {  	_ = 	snop  }
0x6: {  	_ = 	snop  }
0x7: {  	_ = 	snop  }
__scs_overlays_trampoline_lowered:
0x8: {  	[smem:$0x3FA4] =	sst s0  }
0x9: {  	[smem:$0x3FA5] =	sst s1  }
0xa: {  	[smem:$0x3FA6] =	sst s2  }
0xb: {  	[smem:$0x3FA7] =	sst s3  }
0xc: {  	[smem:$0x3FA8] =	sst s4  }
0xd: {  	[smem:$0x3FA9] =	sst s5  }
0xe: {  	[smem:$0x3FAA] =	sst s6  }
0xf: {  	[smem:$0x3FAB] =	sst s7  }
0x10: {  	[smem:$0x3FAC] =	sst s8  }
0x11: {  	[smem:$0x3FAD] =	sst s9;
	s0 =	simm.s32 @!p0 $0x0  }
0x12: {  	s1 =	sld [smem:$0x3F93];
	s0 =	simm.s32 @p0 $0x1  }
0x13: {  	[smem:$0x3FAE] =	sst s0;
	s0 =	simm.s32 @!p1 $0x0  }
0x14: {  	s2 =	sld [smem:$0x3F92];
	s0 =	simm.s32 @p1 $0x1  }
0x15: {  	[smem:$0x3FAF] =	sst s0;
	s0 =	simm.s32 @!p2 $0x0  }
0x16: {  	s3 =	sld [smem:$0x3FDB];
	s0 =	simm.s32 @p2 $0x1  }
0x17: {  	s4 =	simm.s32 $0x1BF5;
	[smem:$0x3FB1] =	sst s0  }
0x18: {  	s0 =	sld [smem:$0x3F94];
	_ =	swait.ge [sflag:s4], $0x0  }
0x19: {  	s7 =	sld [smem:$0x3F95]  }
0x1a: {  	s8 =	sadd.s32 $0xFFFFE003, lr  }
0x1b: {  	s9 =	sadd.s32 $0xFFFFFEF7, lr;
	s5 =	simm.s32 $0xFFFFFFFF;
	p2 =	slt.u32 s8, $0xFFFFF086  }
0x1c: {  	p1 =	slt.u32 s9, $0xF7A;
	s5 =	simm.s32 @!p2 $0x0  }
0x1d: {  	s5 =	simm.s32 @p1 $0x1;
	p0 =	seq.s32 s7, s2  }
0x1e: {  	s7 =	smul.u32 @!p0 $0xF7A, s2;
	p2 =	seq.s32 @!p0 s5, $0x0  }
0x1f: {  	s9 =	smul.u32 $0xF7A, s1;
	s8 =	simm.s32 @!p0 $0x1BF5;
	p2 =	por !p2, p0  }
0x20: {  	[sflag:s8] =	ssyncset.s32 @!p0 $0xFFFFF086;
	s6 =	sadd.s32 @!p0 s3, s7;
	s7 =	simm.s32 @!p0 $0x108  }
0x21: {  	s3 =	sadd.s32 s3, s9;
	s6 =	sadd.s32 @!p0 $0x88, s6;
	s7 =	simm.s32 @p2 $0x1082  }
0x22: {  	[simem:s7], [sflag:s8] =	dma.local @!p0 [hbm:s6], $0xF7A  }
0x23: {  	s9 =	sor.u32 $0xD0000000, s2;
	s6 =	simm.s32 $0x108;
	_ =	swait.ge @!p0 [sflag:s8], $0x0  }
0x24: {  	s3 =	sadd.s32 $0x88, s3;
	s6 =	simm.s32 @!p1 $0x1082;
	[sflag:s4] =	ssyncset.s32 $0xFFFFF086  }
0x25: {  	[simem:s6], [sflag:s4] =	dma.local [hbm:s3], $0xF7A  }
0x26: {  	[smem:$0x3F95] =	sst s1;
	(tag) =	ssettag s2;
	_ =	strace s9  }
0x27: {  	s1 =	sld [smem:$0x3FA5]  }
0x28: {  	s2 =	sld [smem:$0x3FA6]  }
0x29: {  	s4 =	sld [smem:$0x3FA8]  }
0x2a: {  	p0 =	seq.s32 s5, $0x0;
	s5 =	sld [smem:$0x3FA9]  }
0x2b: {  	s6 =	sld [smem:$0x3FAA]  }
0x2c: {  	s7 =	sld [smem:$0x3FAB]  }
0x2d: {  	s3 =	simm.s32 $0x108;
	s8 =	sld [smem:$0x3FAC]  }
0x2e: {  	s3 =	simm.s32 @!p0 $0x1082;
	s9 =	sld [smem:$0x3FAD]  }
0x2f: {  	lr =	sadd.s32 s0, s3;
	s0 =	sld [smem:$0x3FA4]  }
0x30: {  	s3 =	sld [smem:$0x3FA7]  }
0x31: {  	[smem:$0x3FB0] =	sst s10  }
0x32: {  	s10 =	sld [smem:$0x3FAE];
	_ =	sdelay $0x3  }
0x33: {  	p0 =	seq.s32 s10, $0x1;
	s10 =	sld [smem:$0x3FB0];
	_ =	sdelay $0x3  }
0x34: {  	[smem:$0x3FB0] =	sst s10  }
0x35: {  	s10 =	sld [smem:$0x3FAF];
	_ =	sdelay $0x3  }
0x36: {  	p1 =	seq.s32 s10, $0x1;
	s10 =	sld [smem:$0x3FB0];
	_ =	sdelay $0x3  }
0x37: {  	[smem:$0x3FB0] =	sst s10  }
0x38: {  	s10 =	sld [smem:$0x3FB1]  }
0x39: {  	_ = 	snop;
	(pc) =	sbr.ind lr, $3  }
0x3a: {  	_ = 	snop  }
0x3b: {  	_ = 	snop  }
0x3c: {  	p2 =	seq.s32 s10, $0x1;
	s10 =	sld [smem:$0x3FB0]  }
0x3d: {  	_ =	shalt  }
0x3e: {  	_ =	shalt  }
0x3f: {  	_ =	shalt  }
0x40: {  	_ =	shalt  }
0x41: {  	_ =	shalt  }
0x42: {  	_ =	shalt  }
0x43: {  	_ =	shalt  }
0x44: {  	_ =	shalt  }
0x45: {  	_ =	shalt  }
0x46: {  	_ =	shalt  }
0x47: {  	_ =	shalt  }
0x48: {  	_ =	shalt  }
0x49: {  	_ =	shalt  }
0x4a: {  	_ =	shalt  }
0x4b: {  	_ =	shalt  }
0x4c: {  	_ =	shalt  }
0x4d: {  	_ =	shalt  }
0x4e: {  	_ =	shalt  }
0x4f: {  	_ =	shalt  }
0x50: {  	_ =	shalt  }
0x51: {  	_ =	shalt  }
0x52: {  	_ =	shalt  }
0x53: {  	_ =	shalt  }
0x54: {  	_ =	shalt  }
0x55: {  	_ =	shalt  }
0x56: {  	_ =	shalt  }
0x57: {  	_ =	shalt  }
0x58: {  	_ =	shalt  }
0x59: {  	_ =	shalt  }
0x5a: {  	_ =	shalt  }
0x5b: {  	_ =	shalt  }
0x5c: {  	_ =	shalt  }
0x5d: {  	_ =	shalt  }
0x5e: {  	_ =	shalt  }
0x5f: {  	_ =	shalt  }
0x60: {  	_ =	shalt  }
0x61: {  	_ =	shalt  }
0x62: {  	_ =	shalt  }
0x63: {  	_ =	shalt  }
0x64: {  	_ =	shalt  }
0x65: {  	_ =	shalt  }
0x66: {  	_ =	shalt  }
0x67: {  	_ =	shalt  }
0x68: {  	_ =	shalt  }
0x69: {  	_ =	shalt  }
0x6a: {  	_ =	shalt  }
0x6b: {  	_ =	shalt  }
0x6c: {  	_ =	shalt  }
0x6d: {  	_ =	shalt  }
0x6e: {  	_ =	shalt  }
0x6f: {  	_ =	shalt  }
0x70: {  	_ =	shalt  }
0x71: {  	_ =	shalt  }
0x72: {  	_ =	shalt  }
0x73: {  	_ =	shalt  }
0x74: {  	_ =	shalt  }
0x75: {  	_ =	shalt  }
0x76: {  	_ =	shalt  }
0x77: {  	_ =	shalt  }
0x78: {  	_ =	shalt  }
0x79: {  	_ =	shalt  }
0x7a: {  	_ =	shalt  }
0x7b: {  	_ =	shalt  }
0x7c: {  	_ =	shalt  }
0x7d: {  	_ =	shalt  }
0x7e: {  	_ =	shalt  }
0x7f: {  	_ =	shalt  }
0x80: {  	_ =	shalt  }
0x81: {  	_ =	shalt  }
0x82: {  	_ =	shalt  }
0x83: {  	_ =	shalt  }
0x84: {  	_ =	shalt  }
0x85: {  	_ =	shalt  }
0x86: {  	_ =	shalt  }
0x87: {  	_ =	shalt  }
.Lfunc_end0:
.L_simem_size_0:
called_computation_lowered:
.L_overlay_start_0:
0x88: {  	s2 =	sld [smem:$0x3FD9]  }
0x89: {  	s3 =	sld [smem:$0x3FFE];
	_ =	sdelay $0x1  }
0x8a: {  	s1 =	srdreg.scid  }
0x8b: {  	s0 =	sand.u32 $0x1, s1  }
0x8c: {  	s17 =	sshll.u32 s0, $0xA;
	s2 =	sadd.s32 s3, s2  }
0x8d: {  	s2 =	sadd.s32 s2, s17  }
0x8e: {  	[smem:$0x3FBC] =	sst s2  }
0x8f: {  	_ = 	snop  }
0x90: {  	s2 =	sld [smem:$0x3FD0];
	(tm) =	ssettm $0x1  }
0x91: {  	s18 =	sld [smem:$0x3FFB];
	_ =	sdelay $0x3  }
0x92: {  	_ =	strace s18  }
0x93: {  	s3 =	sld [smem:$0x3FFC];
	_ =	sdelay $0x3  }
0x94: {  	_ =	strace s3  }
0x95: {  	s3 =	sld [smem:$0x3FFD];
	_ =	sdelay $0x3  }
0x96: {  	_ =	strace s3  }
0x97: {  	_ =	strace $0x8FFFFFFF  }
0x98: {  	s19 =	sld [smem:$0x3FDB];
	_ =	sdelay $0x1  }
0x99: {  	s4 =	simm.s32 $_scs_section_size  }
0x9a: {  	s5 =	simm.s32 $_size__tile_overlayer_lowered;
	s6 =	simm.s32 $_tile_overlayer_lowered  }
0x9b: {  	s22 =	simm.s32 $0x1BFF;
	s21 =	sshll.u32 s6, $0x1;
	s3 =	sadd.s32 s4, s19  }
0x9c: {  	s7 =	simm.s32 $0x0;
	s20 =	sshll.u32 s5, $0x1;
	s5 =	sadd.s32 s21, s3  }
0x9d: {  	[timem:s7], [sflag:s22] =	dma.local [hbm:s5], s20  }
0x9e: {  	_ =	swait.ge [sflag:s22], s20  }
0x9f: {  	s4 =	ssub.s32 $0x0, s20;
	[sflag:s22] =	ssyncset.done $0x0  }
0xa0: {  	[sflag:s22] =	ssyncadd.s32 s4;
	_ =	sdelay $0x1  }
0xa1: {  	s23 =	simm.s32 $0x1B8B  }
0xa2: {  	_ =	swait.ge [sflag:s23], $0x1  }
0xa3: {  	[sflag:s23] =	ssyncset.done $0x0  }
0xa4: {  	s25 =	simm.s32 $0x1B8E;
	s24 =	sld [smem:$0x3FFE];
	[sflag:s23] =	ssyncadd.s32 $0xFFFFFFFF  }
0xa5: {  	s26 =	simm.s32 $execute0_lowered;
	[smem:$0x3FD2] =	sst s25  }
0xa6: {  	s5 =	sshll.u32 s26, $0x1;
	_ =	strace $0x80000046;
	[dreg:$0x1] =	wrdreg $0xFFFFFFFF  }
0xa7: {  	s28 =	simm.s32 $_size_execute0_lowered;
	s3 =	sadd.s32 s3, s5;
	[dreg:$0x0] =	wrdreg $0x0  }
0xa8: {  	s5 =	sshll.u32 s28, $0x1;
	[dreg:$0x2] =	wrdreg s3  }
0xa9: {  	[dreg:$0x3] =	wrdreg s5  }
0xaa: {  	[dreg:$0x4] =	wrdreg $0xC0  }
0xab: {  	_ =	task [dreg:s7], $0x5FFFF  }
0xac: {  	[dreg:$0x1] =	wrdreg $0xFFFFFFFF  }
0xad: {  	[dreg:$0x0] =	wrdreg $0x60  }
0xae: {  	[dreg:$0x2] =	wrdreg s2  }
0xaf: {  	[dreg:$0x3] =	wrdreg s24  }
0xb0: {  	[dreg:$0x4] =	wrdreg $0x6C000  }
0xb1: {  	[dreg:$0x5] =	wrdreg $0x9  }
0xb2: {  	_ =	task.clear_ibuf [dreg:s7], $0x6FFFF;
	_ =	strace $0x90000046  }
0xb3: {  	s29 =	simm.s32 $0x9;
	_ =	strace $0x80000048  }
0xb4: {  	_ =	swait.ge [sflag:s29], $0x1  }
0xb5: {  	[sflag:s29] =	ssyncadd.s32 $0xFFFFFFFF  }
0xb6: {  	_ =	strace $0x90000048  }
0xb7: {  	_ =	sfence  }
0xb8: {  	s30 =	sld [smem:$0x0];
	_ =	sdelay $0x2  }
0xb9: {  	s31 =	sshll.u32 s1, $0xD;
	s1 =	sshrl.u32 s1, $0x2  }
0xba: {  	s3 =	sand.u32 $0x4000, s31;
	s1 =	sadd.s32 s1, s30  }
0xbb: {  	s0 =	sor.u32 s3, s0;
	s1 =	sshll.u32 s1, $0x11  }
0xbc: {  	s0 =	sor.u32 s1, s0  }
0xbd: {  	s0 =	sadd.s32 $0x8F2B, s0  }
0xbe: {  	[sflag:s0] =	ssyncadd.remote.s32 $0x1  }
0xbf: {  	_ =	sfence.sel $0xFFFF  }
0xc0: {  	[dreg:$0x0] =	wrdreg $0xFFFFFFFF;
	(pc) =	sbr.abs _section_cstart, $3  }
0xc1: {  	[dreg:$0x1] =	wrdreg $0xFFFFFFFF  }
0xc2: {  	_ =	task.clear_ibuf [dreg:s7], $0x2FFFF;
	_ =	strace $0x9FFFFFFF  }
0xc3: {  	(tm) =	ssettm $0x7FFFFFFF  }
tec
execute0_lowered:
.L_overlay_start_1:
0x0: {  	(tag) =	ssettag $0x1  }
0x1: {  	s4 =	rddreg [dreg:$0x0]  }
0x2: {  	s5 =	rddreg [dreg:$0x1]  }
0x3: {  	s0 =	srdreg.scid;
	s2 =	rddreg [dreg:$0x2]  }
0x4: {  	s1 =	stileid.u32;
	s3 =	simm.s32 $0x0;
	s11 =	simm.s32 $0x4000  }
0x5: {  	s12 =	simm.s32 $0x80;
	s13 =	simm.s32 $0x100;
	s14 =	simm.s32 $0x180  }
0x6: {  	s15 =	simm.s32 $0x1;
	s16 =	simm.s32 $0x200;
	s17 =	simm.s32 $0x2  }
0x7: {  	s18 =	simm.s32 $0x3;
	s19 =	simm.s32 $0x4;
	s20 =	simm.s32 $0x0  }
0x8: {  	s6 =	sand.u32 $0x1, s0;
	s0 =	rddreg [dreg:$0x3];
	s8 =	smul.u32 $0x14000, s1  }
0x9: {  	[smem:$0x7FF] =	sst s3;
	s9 =	smul.u32 $0x50000, s1;
	s10 =	sshll.u32 s1, $0xC  }
0xa: {  	s7 =	smul.u32 $0x140000, s6;
	_ =	strace $0x80000047;
	s30 =	ssub.s32 $0x2, s6  }
0xb: {  	s6 =	sshll.u32 s6, $0xB;
	s31 =	sshrl.u32 s30, $0x1;
	s9 =	sshrl.u32 s9, $0x2  }
0xc: {  	s6 =	sadd.s32 s4, s6;
	s7 =	sadd.s32 s8, s7;
	s8 =	ssub.s32 s30, s31  }
0xd: {  	s4 =	sadd.s32 s9, s2;
	s9 =	simm.s32 $0x5;
	s7 =	sshrl.u32 s7, $0x3  }
0xe: {  	s7 =	sadd.s32 s7, s5;
	s5 =	sadd.s32 s10, s6;
	s10 =	simm.s32 $0x50  }
0xf: {  	v0 =	vimm.f32 $1.000000000e+00;
	v1 =	vimm.f32 $0.0e+00;
	s6 =	sadd.s32 $0x16E00, s7;
	s7 =	smax.u32 s8, $0x1;
	s8 =	simm.s32 $0x6800  }
.LBB2_1:
0x10: {  	s21 =	sand.u32 $0xFE00, s3  }
0x11: {  	s23 =	sand.u32 $0x70, s3;
	s21 =	sshrl.u32 s21, $0x2  }
0x12: {  	s22 =	simm.s32 $0x40;
	s24 =	sor.u32 s23, s21;
	s23 =	simm.s32 $0x0  }
.LBB2_2:
0x13: {  	p0 =	sne.s32 s22, $0x9FC0  }
0x14: {  	[tilespmem:s24+$0x4000] =	vst v0;
	s23 =	sadd.s32 $0x10, s23;
	s21 =	smov.u32 s22;
	s22 =	sadd.s32 $0x40, s22  }
.Ltmp0:
0x15: {  	(pc) =	sbr.rel @p0 .LBB2_2-.Ltmp0, $4  }
0x16: {  	_ = 	snop  }
0x17: {  	s21 =	sand.u32 $0xFE00, s21  }
0x18: {  	s24 =	sand.u32 $0x70, s23;
	s21 =	sshrl.u32 s21, $0x2  }
0x19: {  	s24 =	sor.u32 s24, s21;
	s21 =	simm.s32 $0x0  }
0x1a: {  	s22 =	sand.u32 $0xE00, s21  }
0x1b: {  	s23 =	sand.u32 $0x70, s21;
	s25 =	sshrl.u32 s22, $0x2  }
0x1c: {  	[tilespmem:s24+$0x4000] =	vst v0;
	s22 =	simm.s32 $0x40;
	s23 =	sor.u32 s23, s25  }
.LBB2_4:
0x1d: {  	p0 =	sne.s32 s22, $0xFC0  }
0x1e: {  	[tilespmem:s23+$0x6800] =	vst v1;
	s21 =	sadd.s32 $0x10, s21;
	s23 =	smov.u32 s22;
	s22 =	sadd.s32 $0x40, s22  }
.Ltmp1:
0x1f: {  	(pc) =	sbr.rel @p0 .LBB2_4-.Ltmp1, $4  }
0x20: {  	_ = 	snop  }
0x21: {  	s23 =	sand.u32 $0xE00, s23  }
0x22: {  	s24 =	sand.u32 $0x70, s21;
	s23 =	sshrl.u32 s23, $0x2  }
0x23: {  	s23 =	sor.u32 s24, s23  }
0x24: {  	[tilespmem:s23+$0x6800] =	vst v1;
	s21 =	sadd.s32 $0x0, s4  }
0x25: {  	[spmem:s21] =	stream.linear.scatter [tilespmem:s8], [sflag:$0x5], $0x400, $0x38;
	[tilespmem:$0x1AC00] =	vst v63  }
0x26: {  	s21 =	simm.s32 $0x1000;
	_ =	swait.ge [sflag:s9], $0x400  }
.LBB2_6:
0x27: {  	s22 =	sshra.s32 s21, $0x2;
	[sflag:s9] =	ssyncset.done $0x0;
	p0 =	sne.s32 s21, $0x4F000  }
.Ltmp2:
0x28: {  	s22 =	sadd.s32 s22, s4;
	[sflag:s9] =	ssyncadd.s32 $0xFFFFFC00;
	(pc) =	sbr.rel @p0 .LBB2_6-.Ltmp2, $3  }
0x29: {  	[spmem:s22] =	stream.linear.scatter [tilespmem:s8], [sflag:$0x5], $0x400, $0x38;
	[tilespmem:$0x1AC00] =	vst v63  }
0x2a: {  	s21 =	sadd.s32 $0x1000, s21;
	_ =	sdelay $0x1  }
0x2b: {  	_ =	swait.ge [sflag:s9], $0x400  }
0x2c: {  	[sflag:s9] =	ssyncset.done $0x0  }
0x2d: {  	[sflag:s9] =	ssyncadd.s32 $0xFFFFFC00  }
0x2e: {  	[tilespmem:s3], [sflag:$0x5] =	stream.linear.gather [hbm4b:s5+s3], $0x3E80, $0x38;
	[tilespmem:$0x1AC00] =	vst v63  }
0x2f: {  	_ =	swait.ge [sflag:s9], $0x3E80  }
0x30: {  	[sflag:s9] =	ssyncset.done $0x0  }
0x31: {  	[sflag:s9] =	ssyncadd.s32 $0xFFFFC180  }
0x32: {  	[bflag:$0x0] =	sbarrier.arrive $0xFFFF  }
0x33: {  	[spmem:s2] =	stream.indirect.scatter.add.f32 [tilespmem:s11], [sflag:$0x1], $0x80, s3, s10, $0xb8;
	[tilespmem:$0x1AC00] =	vst v63  }
0x34: {  	_ = 	snop  }
0x35: {  	[spmem:s2] =	stream.indirect.scatter.add.f32 [tilespmem:s11], [sflag:$0x2], $0x80, s12, s10, $0xb8;
	[tilespmem:$0x1AC00] =	vst v63  }
0x36: {  	_ = 	snop  }
0x37: {  	[spmem:s2] =	stream.indirect.scatter.add.f32 [tilespmem:s11], [sflag:$0x3], $0x80, s13, s10, $0xb8;
	[tilespmem:$0x1AC00] =	vst v63  }
0x38: {  	_ = 	snop  }
0x39: {  	[spmem:s2] =	stream.indirect.scatter.add.f32 [tilespmem:s11], [sflag:$0x4], $0x80, s14, s10, $0xb8;
	[tilespmem:$0x1AC00] =	vst v63  }
0x3a: {  	_ =	swait.ge [sflag:s15], $0x2800  }
0x3b: {  	[sflag:s15] =	ssyncset.done $0x0  }
0x3c: {  	[sflag:s15] =	ssyncadd.s32 $0xFFFFD800  }
0x3d: {  	[spmem:s2] =	stream.indirect.scatter.add.f32 [tilespmem:s11], [sflag:$0x1], $0x80, s16, s10, $0xb8;
	[tilespmem:$0x1AC00] =	vst v63  }
0x3e: {  	_ =	swait.ge [sflag:s17], $0x2800  }
0x3f: {  	[sflag:s17] =	ssyncset.done $0x0  }
0x40: {  	s21 =	simm.s32 $0x280;
	[sflag:s17] =	ssyncadd.s32 $0xFFFFD800  }
0x41: {  	[spmem:s2] =	stream.indirect.scatter.add.f32 [tilespmem:s11], [sflag:$0x2], $0x80, s21, s10, $0xb8;
	[tilespmem:$0x1AC00] =	vst v63  }
0x42: {  	_ =	swait.ge [sflag:s18], $0x2800  }
0x43: {  	[sflag:s18] =	ssyncset.done $0x0  }
0x44: {  	s29 =	simm.s32 $0x300;
	[sflag:s18] =	ssyncadd.s32 $0xFFFFD800  }
0x45: {  	[spmem:s2] =	stream.indirect.scatter.add.f32 [tilespmem:s11], [sflag:$0x3], $0x80, s29, s10, $0xb8;
	[tilespmem:$0x1AC00] =	vst v63  }
0x46: {  	_ =	swait.ge [sflag:s19], $0x2800  }
0x47: {  	[sflag:s19] =	ssyncset.done $0x0  }
0x48: {  	s30 =	simm.s32 $0x380;
	[sflag:s19] =	ssyncadd.s32 $0xFFFFD800  }
0x49: {  	[spmem:s2] =	stream.indirect.scatter.add.f32 [tilespmem:s11], [sflag:$0x4], $0x80, s30, s10, $0xb8;
	[tilespmem:$0x1AC00] =	vst v63  }
0x4a: {  	_ =	swait.ge [sflag:s15], $0x2800  }
0x4b: {  	[sflag:s15] =	ssyncset.done $0x0  }
0x4c: {  	s31 =	simm.s32 $0x400;
	[sflag:s15] =	ssyncadd.s32 $0xFFFFD800  }
0x4d: {  	[spmem:s2] =	stream.indirect.scatter.add.f32 [tilespmem:s11], [sflag:$0x1], $0x80, s31, s10, $0xb8;
	[tilespmem:$0x1AC00] =	vst v63  }
0x4e: {  	_ =	swait.ge [sflag:s17], $0x2800  }
0x4f: {  	s22 =	simm.s32 $0xFFFF2000;
	s21 =	simm.s32 $0xFFFFC600;
	[sflag:s17] =	ssyncset.done $0x0  }
.LBB2_8:
0x50: {  	s23 =	sadd.s32 $0x3E80, s21  }
0x51: {  	[sflag:s17] =	ssyncadd.s32 $0xFFFFD800;
	s24 =	smov.u32 s22;
	s25 =	sadd.s32 $0x800, s22  }
0x52: {  	[spmem:s2] =	stream.indirect.scatter.add.f32 [tilespmem:s11], [sflag:$0x2], $0x80, s23, s10, $0xb8;
	[tilespmem:$0x1AC00] =	vst v63  }
0x53: {  	p0 =	sne.s32 s22, $0xFFFFF800;
	_ =	swait.ge [sflag:s18], $0x2800  }
0x54: {  	[sflag:s18] =	ssyncset.done $0x0  }
0x55: {  	s22 =	sadd.s32 $0x3F00, s21;
	[sflag:s18] =	ssyncadd.s32 $0xFFFFD800  }
0x56: {  	[spmem:s2] =	stream.indirect.scatter.add.f32 [tilespmem:s11], [sflag:$0x3], $0x80, s22, s10, $0xb8;
	[tilespmem:$0x1AC00] =	vst v63  }
0x57: {  	_ =	swait.ge [sflag:s19], $0x2800  }
0x58: {  	[sflag:s19] =	ssyncset.done $0x0  }
0x59: {  	s22 =	sadd.s32 $0x3F80, s21;
	[sflag:s19] =	ssyncadd.s32 $0xFFFFD800  }
0x5a: {  	[spmem:s2] =	stream.indirect.scatter.add.f32 [tilespmem:s11], [sflag:$0x4], $0x80, s22, s10, $0xb8;
	[tilespmem:$0x1AC00] =	vst v63  }
0x5b: {  	_ =	swait.ge [sflag:s15], $0x2800  }
.Ltmp3:
0x5c: {  	[sflag:s15] =	ssyncset.done $0x0;
	(pc) =	sbr.rel @p0 .LBB2_8-.Ltmp3, $4  }
0x5d: {  	s21 =	sadd.s32 $0x4000, s21;
	[sflag:s15] =	ssyncadd.s32 $0xFFFFD800  }
0x5e: {  	[spmem:s2] =	stream.indirect.scatter.add.f32 [tilespmem:s11], [sflag:$0x1], $0x80, s21, s10, $0xb8;
	[tilespmem:$0x1AC00] =	vst v63  }
0x5f: {  	_ =	swait.ge [sflag:s17], $0x2800  }
0x60: {  	s22 =	smov.u32 s25;
	s21 =	sshra.s32 s24, $0x2;
	[sflag:s17] =	ssyncset.done $0x0  }
0x61: {  	s22 =	sadd.s32 $0x3E80, s21;
	[sflag:s17] =	ssyncadd.s32 $0xFFFFD800  }
0x62: {  	[spmem:s2] =	stream.indirect.scatter.add.f32 [tilespmem:s11], [sflag:$0x2], $0x80, s22, s10, $0xb8;
	[tilespmem:$0x1AC00] =	vst v63  }
0x63: {  	_ =	swait.ge [sflag:s18], $0x2800  }
0x64: {  	[sflag:s18] =	ssyncset.done $0x0  }
0x65: {  	s26 =	sadd.s32 $0x3F00, s21;
	[sflag:s18] =	ssyncadd.s32 $0xFFFFD800  }
0x66: {  	[spmem:s2] =	stream.indirect.scatter.add.f32 [tilespmem:s11], [sflag:$0x3], $0x80, s26, s10, $0xb8;
	[tilespmem:$0x1AC00] =	vst v63  }
0x67: {  	_ =	swait.ge [sflag:s19], $0x2800  }
0x68: {  	[sflag:s19] =	ssyncset.done $0x0  }
0x69: {  	s28 =	sadd.s32 $0x3F80, s21;
	[sflag:s19] =	ssyncadd.s32 $0xFFFFD800  }
0x6a: {  	[spmem:s2] =	stream.indirect.scatter.add.f32 [tilespmem:s11], [sflag:$0x4], $0x80, s28, s10, $0xb8;
	[tilespmem:$0x1AC00] =	vst v63  }
0x6b: {  	_ =	swait.ge [sflag:s15], $0x2800  }
0x6c: {  	[sflag:s15] =	ssyncset.done $0x0  }
0x6d: {  	s29 =	sadd.s32 $0x4000, s21;
	[sflag:s15] =	ssyncadd.s32 $0xFFFFD800  }
0x6e: {  	[spmem:s2] =	stream.indirect.scatter.add.f32 [tilespmem:s11], [sflag:$0x1], $0x80, s29, s10, $0xb8;
	[tilespmem:$0x1AC00] =	vst v63  }
0x6f: {  	_ =	swait.ge [sflag:s17], $0x2800  }
0x70: {  	[sflag:s17] =	ssyncset.done $0x0  }
0x71: {  	[sflag:s17] =	ssyncadd.s32 $0xFFFFD800  }
0x72: {  	_ =	swait.ge [sflag:s18], $0x2800  }
0x73: {  	[sflag:s18] =	ssyncset.done $0x0  }
0x74: {  	[sflag:s18] =	ssyncadd.s32 $0xFFFFD800  }
0x75: {  	_ =	swait.ge [sflag:s19], $0x2800  }
0x76: {  	[sflag:s19] =	ssyncset.done $0x0  }
0x77: {  	[sflag:s19] =	ssyncadd.s32 $0xFFFFD800  }
0x78: {  	_ =	swait.ge [sflag:s15], $0x2800  }
0x79: {  	s30 =	sshll.u32 s1, $0x6;
	s20 =	sadd.s32 $0x1, s20;
	[sflag:s15] =	ssyncset.done $0x0  }
0x7a: {  	s31 =	sshrl.u32 s4, $0x3;
	p0 =	sne.s32 s20, s7;
	[sflag:s15] =	ssyncadd.s32 $0xFFFFD800  }
.Ltmp4:
0x7b: {  	s21 =	sor.u32 $0x1C05, s30;
	[bflag:$0x0] =	sbarrier.arrive $0xFFFF;
	(pc) =	sbr.rel @p0 .LBB2_1-.Ltmp4, $4  }
0x7c: {  	[hbm:s6], [sflag:s21] =	dma.local [spmem:s31], $0x2800  }
0x7d: {  	_ =	swait.ge [sflag:s9], $0x2800  }
0x7e: {  	[sflag:s9] =	ssyncset.done $0x0  }
0x7f: {  	[sflag:s9] =	ssyncadd.s32 $0xFFFFD800  }
0x80: {  	_ =	sfence.sel $0x180000  }
0x81: {  	[bflag:$0x0] =	sbarrier.arrive $0xFFFF  }
0x82: {  	p0 =	sne.s32 s1, $0x0;
	_ =	strace $0x90000047  }
0x83: {  	s0 =	sadd.s32 @!p0 $0x100000, s0;
	[bflag:$0x2] =	sbarrier.arrive $0xFFFF  }
0x84: {  	[sflag:s0] =	ssyncadd.tile.s32 @!p0 $0x1;
	_ =	shalt  }
.Lfunc_end2:
_tile_overlayer_lowered:
.L_overlay_start_2:
0x85: {  	(tag) =	ssettag $0x2  }
0x86: {  	s0 =	rddreg [dreg:$0x0];
	s2 =	stileid.u32  }
0x87: {  	s1 =	rddreg [dreg:$0x1];
	p0 =	sne.s32 s2, $0x0  }
0x88: {  	s3 =	rddreg [dreg:$0x2];
	[bflag:$0x3] =	sbarrier.arrive $0xFFFF;
	s2 =	simm.s32 @!p0 $0x1C05  }
0x89: {  	[timem:s3], [sflag:s2] =	dma.local @!p0 [hbm:s0], s1  }
0x8a: {  	s0 =	simm.s32 @!p0 $0x5  }
0x8b: {  	_ =	swait.ge @!p0 [sflag:s0], s1  }
0x8c: {  	s1 =	ssub.s32 @!p0 $0x0, s1;
	[sflag:s0] =	ssyncset.done @!p0 $0x0  }
0x8d: {  	[sflag:s0] =	ssyncadd.s32 @!p0 s1  }
0x8e: {  	[bflag:$0x3] =	sbarrier.arrive $0xFFFF  }
0x8f: {  	_ =	shalt  }

</sc_bundles>
